<compile_context>
chip_gen: v7x
topology: tpu7x:2x2x1
jax: 0.10.2.dev20260603
libtpu: 0.0.44.dev20260713+nightly
codegen_flags: <defaults>
</compile_context>

<pallas_src>
import functools

import jax
import jax.numpy as jnp
from jax import lax
from jax.experimental import pallas as pl
from jax.experimental.pallas import tpu as pltpu
from jax.experimental.pallas import tpu_sc as plsc

_K = 1024
_D = 64
_B = 32
_H = 32
_W = 32
_HW = _H * _W
_N = _B * _HW

_NUM_WORKERS = 32
_CHUNK = _N // _NUM_WORKERS


_BB = 8


def _tc_argmin_body(z_ref, emb_ref, idx_ref, quant_ref, loss_ref):
    b = pl.program_id(0)
    emb = emb_ref[...]
    e2 = jnp.sum(emb * emb, axis=1, keepdims=True)
    iota_col = lax.broadcasted_iota(jnp.int32, (_K, 1), 0).astype(jnp.float32)
    emb_bf = emb.astype(jnp.bfloat16)
    lp = jnp.zeros((1, 1), jnp.float32)
    for sb in range(_BB):
        zb = z_ref[0, sb]
        scores = lax.dot_general(
            emb, zb, dimension_numbers=(((1,), (0,)), ((), ())),
            preferred_element_type=jnp.float32)
        dist = e2 - 2.0 * scores
        minval = jnp.min(dist, axis=0, keepdims=True)
        idxf = jnp.min(jnp.where(dist == minval, iota_col, float(_K)), axis=0)
        idx_ref[0, sb] = idxf.astype(jnp.int32).reshape(8, 128)
        onehot = (iota_col == idxf[None, :]).astype(jnp.float32)
        quant = lax.dot_general(
            emb, onehot,
            dimension_numbers=(((0,), (0,)), ((), ())),
            preferred_element_type=jnp.float32,
            precision=lax.Precision.HIGHEST)
        quant_ref[0, sb] = quant
        diff = quant - zb
        lp = lp + jnp.sum(diff * diff).reshape(1, 1)

    @pl.when(b == 0)
    def _():
        loss_ref[...] = jnp.zeros_like(loss_ref)

    loss_ref[...] += lp


def _tc_argmin(z3, embedding):
    nb = _B // _BB
    z4 = z3.reshape(nb, _BB, _D, _HW)
    return pl.pallas_call(
        _tc_argmin_body,
        grid=(nb,),
        in_specs=[
            pl.BlockSpec((1, _BB, _D, _HW), lambda b: (b, 0, 0, 0)),
            pl.BlockSpec((_K, _D), lambda b: (0, 0)),
        ],
        out_specs=[
            pl.BlockSpec((1, _BB, 8, 128), lambda b: (b, 0, 0, 0)),
            pl.BlockSpec((1, _BB, _D, _HW), lambda b: (b, 0, 0, 0)),
            pl.BlockSpec((1, 1), lambda b: (0, 0)),
        ],
        out_shape=[
            jax.ShapeDtypeStruct((nb, _BB, 8, 128), jnp.int32),
            jax.ShapeDtypeStruct((nb, _BB, _D, _HW), jnp.float32),
            jax.ShapeDtypeStruct((1, 1), jnp.float32),
        ],
    )(z4, embedding)


def _sc_counts(idx_grouped):
    mesh = plsc.VectorSubcoreMesh(core_axis_name="c", subcore_axis_name="s")
    info = plsc.get_sparse_core_info()
    num_cores = info.num_cores

    @functools.partial(
        pl.kernel,
        mesh=mesh,
        out_type=jax.ShapeDtypeStruct((_NUM_WORKERS, _K), jnp.float32),
        scratch_types=[
            pltpu.VMEM((8, 128), jnp.int32),
            pltpu.VMEM((_K,), jnp.float32),
        ],
        compiler_params=pltpu.CompilerParams(
            needs_layout_passes=False, use_tc_tiling_on_sc=False),
    )
    def sc_kernel(idx_hbm, counts_hbm, idx_v, hist_v):
        wid = lax.axis_index("s") * num_cores + lax.axis_index("c")
        pltpu.sync_copy(idx_hbm.at[wid], idx_v)

        zeros16 = jnp.zeros((16,), jnp.float32)

        def _zero(i, _):
            hist_v[pl.ds(i * 16, 16)] = zeros16
            return 0

        lax.fori_loop(0, _K // 16, _zero, 0)

        ones16 = jnp.ones((16,), jnp.float32)
        for j in range(8):
            def _hist(i, _, j=j):
                v = idx_v[j, pl.ds(i * 16, 16)]
                plsc.addupdate_scatter(hist_v, [v], ones16)
                return 0

            lax.fori_loop(0, 8, _hist, 0)

        pltpu.sync_copy(hist_v, counts_hbm.at[wid])

    return sc_kernel(idx_grouped)


def _tc_finalize_body(cp_ref, ls_ref, loss_ref, perp_ref, used_ref):
    cnt = jnp.sum(cp_ref[...], axis=0, keepdims=True)
    p = cnt * (1.0 / _N)
    ent = jnp.sum(p * jnp.log(p + 1e-10))
    perp_ref[...] = jnp.exp(-ent).reshape(1, 1)
    used_ref[...] = (cnt > 0).astype(jnp.float32)
    loss_ref[...] = ls_ref[...] * (1.0 / (_N * _D))


def _tc_finalize(counts_part, loss_sum):
    return pl.pallas_call(
        _tc_finalize_body,
        out_shape=[
            jax.ShapeDtypeStruct((1, 1), jnp.float32),
            jax.ShapeDtypeStruct((1, 1), jnp.float32),
            jax.ShapeDtypeStruct((1, _K), jnp.float32),
        ],
    )(counts_part, loss_sum)


def kernel(z, embedding):
    z3 = z.reshape(_B, _D, _HW)
    idx3, quant, loss_sum = _tc_argmin(z3, embedding)
    counts_part = _sc_counts(idx3.reshape(_NUM_WORKERS, 8, 128))
    loss, perplexity, used_codes = _tc_finalize(counts_part, loss_sum)
    z_q = quant.reshape(_B, _D, _H, _W)
    indices = idx3.reshape(_B, _H, _W)
    return (z_q, loss[0, 0], indices, perplexity[0, 0], used_codes[0])

# --- scband reference (transcript-rebuilt; emitter-appended) ---
"""Pipeline reference for scband-model-grid-temporal-vqvae-38259568673350 (READ-ONLY COPY).

The authoritative reference and input builder live on the scoring server;
editing this copy changes nothing except your own understanding.
"""

import jax, jax.numpy as jnp
import numpy as np

K = 1024
D = 64
B = 32
H = 32
W = 32


def setup_inputs(seed: int = 0) -> dict:
    key = jax.random.key(seed)
    k1, k2 = jax.random.split(key)
    z = jax.random.normal(k1, (B, D, H, W), dtype=jnp.float32)
    embedding = jax.random.normal(k2, (K, D), dtype=jnp.float32)
    return {"z": z, "embedding": embedding}


def reference(z, embedding):
    # Faithful eval-mode forward of VectorQuantizerEMA (EMA buffer updates are
    # training-only side effects and are skipped, matching module.eval()).
    Bx, Dx, Hx, Wx = z.shape
    Kx = embedding.shape[0]
    z_perm = jnp.transpose(z, (0, 2, 3, 1))          # [B, H, W, D]
    flat_z = z_perm.reshape(-1, Dx)                   # [N, D]
    distances = (
        jnp.sum(flat_z ** 2, axis=1, keepdims=True)
        + jnp.sum(embedding ** 2, axis=1)
        - 2.0 * jnp.matmul(flat_z, embedding.T)
    )                                                 # [N, K]
    encoding_indices = jnp.argmin(distances, axis=1)  # [N]
    # one-hot @ embedding == row gather (identical math)
    quantized = jnp.take(embedding, encoding_indices, axis=0)  # [N, D]
    quantized = jnp.transpose(quantized.reshape(Bx, Hx, Wx, Dx), (0, 3, 1, 2))
    z_q = z + jax.lax.stop_gradient(quantized - z)
    loss = jnp.mean((jax.lax.stop_gradient(z_q) - z) ** 2)
    indices = encoding_indices.reshape(Bx, Hx, Wx)
    counts = jnp.bincount(encoding_indices, length=Kx)
    avg_probs = counts.astype(jnp.float32) / flat_z.shape[0]
    perplexity = jnp.exp(-jnp.sum(avg_probs * jnp.log(avg_probs + 1e-10)))
    used_codes = (counts > 0).astype(jnp.float32)
    return (z_q, loss, indices, perplexity, used_codes)

if __name__ == "__main__":
    import jax
    _d = setup_inputs()
    print(jax.jit(kernel)(*tuple(_d.values())))

</pallas_src>

<mosaic_0001>
#map = affine_map<(d0, d1) -> (0, 0, 0)>
#map1 = affine_map<(d0, d1) -> (0, 0)>
module attributes {stable_mosaic.version = 14 : i64} {
  func.func @sc_kernel(%arg0: i32, %arg1: i32, %arg2: memref<32x8x128xi32, #tpu.memory_space<hbm>>, %arg3: memref<32x1024xf32, #tpu.memory_space<hbm>>, %arg4: memref<8x128xi32, #tpu.memory_space<vmem>>, %arg5: memref<1024xf32, #tpu.memory_space<vmem>>) attributes {dimension_semantics = [#tpu.dimension_semantics<core_parallel>, #tpu.dimension_semantics<subcore_parallel>], iteration_bounds = array<i64: 2, 16>, scalar_prefetch = 0 : i64, scratch_operands = 2 : i64, tpu.core_type = #tpu.core_type<sc_vector_subcore>, window_params = [{transform_indices = #map}, {transform_indices = #map1}]} {
    %mul3A = arith.constant 2 : i32
    %mul3A_0 = arith.muli %arg1, %mul3A : i32
    %add3A = arith.addi %mul3A_0, %arg0 : i32
    "tpu.region"() ({
      %run_scoped3A = tpu.sem_alloc : memref<!tpu.dma_semaphore, #tpu.memory_space<semaphore_mem>>
      %dma_start3A = arith.constant 0 : i32
      %dma_start3A_66 = arith.constant 0 : i32
      %dma_start3A_67 = tpu.memref_slice %arg2[%add3A, %dma_start3A, %dma_start3A_66] : memref<32x8x128xi32, #tpu.memory_space<hbm>> -> memref<1x8x128xi32, #tpu.memory_space<hbm>>
      %dma_start3A_68 = tpu.memref_squeeze %dma_start3A_67 : memref<1x8x128xi32, #tpu.memory_space<hbm>> -> memref<8x128xi32, #tpu.memory_space<hbm>>
      %dma_start3A_69 = arith.constant 0 : i32
      %dma_start3A_70 = arith.constant 0 : i32
      %dma_start3A_71 = tpu.memref_slice %arg2[%add3A, %dma_start3A_69, %dma_start3A_70] : memref<32x8x128xi32, #tpu.memory_space<hbm>> -> memref<1x8x128xi32, #tpu.memory_space<hbm>>
      %dma_start3A_72 = tpu.memref_squeeze %dma_start3A_71 : memref<1x8x128xi32, #tpu.memory_space<hbm>> -> memref<8x128xi32, #tpu.memory_space<hbm>>
      tpu.enqueue_dma source(%dma_start3A_72 : memref<8x128xi32, #tpu.memory_space<hbm>>) target(%arg4 : memref<8x128xi32, #tpu.memory_space<vmem>>) target_semaphore(%run_scoped3A : memref<!tpu.dma_semaphore, #tpu.memory_space<semaphore_mem>>)
      %dma_wait3A = arith.constant 0 : i32
      %dma_wait3A_73 = arith.constant 0 : i32
      %dma_wait3A_74 = tpu.memref_slice %arg2[%add3A, %dma_wait3A, %dma_wait3A_73] : memref<32x8x128xi32, #tpu.memory_space<hbm>> -> memref<1x8x128xi32, #tpu.memory_space<hbm>>
      %dma_wait3A_75 = tpu.memref_squeeze %dma_wait3A_74 : memref<1x8x128xi32, #tpu.memory_space<hbm>> -> memref<8x128xi32, #tpu.memory_space<hbm>>
      %dma_wait3A_76 = arith.constant 0 : i32
      %dma_wait3A_77 = arith.constant 0 : i32
      %dma_wait3A_78 = tpu.memref_slice %arg2[%add3A, %dma_wait3A_76, %dma_wait3A_77] : memref<32x8x128xi32, #tpu.memory_space<hbm>> -> memref<1x8x128xi32, #tpu.memory_space<hbm>>
      %dma_wait3A_79 = tpu.memref_squeeze %dma_wait3A_78 : memref<1x8x128xi32, #tpu.memory_space<hbm>> -> memref<8x128xi32, #tpu.memory_space<hbm>>
      tpu.wait_dma2 semaphore(%run_scoped3A : memref<!tpu.dma_semaphore, #tpu.memory_space<semaphore_mem>>) src(%dma_wait3A_79 : memref<8x128xi32, #tpu.memory_space<hbm>>) dst(%arg4 : memref<8x128xi32, #tpu.memory_space<vmem>>)
      tpu.yield
    }) : () -> ()
    %broadcast_in_dim3A = arith.constant 0.000000e+00 : f32
    %broadcast_in_dim3A_1 = vector.broadcast %broadcast_in_dim3A : f32 to vector<16xf32>
    %scan3A = arith.constant 0 : i32
    %scan3A_2 = arith.constant 0 : i32
    %scan3A_3 = arith.constant 64 : i32
    %scan3A_4 = arith.addi %scan3A_2, %scan3A_3 : i32
    %scan3A_5 = arith.constant 1 : i32
    %scan3A_6 = scf.for %scan3A_66 = %scan3A_2 to %scan3A_4 step %scan3A_5 iter_args(%scan3A_67 = %scan3A) -> (i32)  : i32 {
      %mul3A_68 = arith.constant 16 : i32
      %mul3A_69 = arith.muli %scan3A_66, %mul3A_68 : i32
      %swap3A = arith.index_cast %mul3A_69 : i32 to index
      %swap3A_70 = tpu.vector_load %arg5[%swap3A] {strides = array<i32>} : memref<1024xf32, #tpu.memory_space<vmem>>, vector<16xf32>,
      tpu.vector_store %arg5[%swap3A], %broadcast_in_dim3A_1 {strides = array<i32>} : memref<1024xf32, #tpu.memory_space<vmem>>, vector<16xf32>,
      %scan3A_71 = arith.constant 0 : i32
      scf.yield %scan3A_71 : i32
    }
    %scan3A_7 = arith.constant 64 : i32
    %broadcast_in_dim3A_8 = arith.constant 1.000000e+00 : f32
    %broadcast_in_dim3A_9 = vector.broadcast %broadcast_in_dim3A_8 : f32 to vector<16xf32>
    %scan3A_10 = arith.constant 0 : i32
    %scan3A_11 = arith.constant 0 : i32
    %scan3A_12 = arith.constant 8 : i32
    %scan3A_13 = arith.addi %scan3A_11, %scan3A_12 : i32
    %scan3A_14 = arith.constant 1 : i32
    %scan3A_15 = scf.for %scan3A_66 = %scan3A_11 to %scan3A_13 step %scan3A_14 iter_args(%scan3A_67 = %scan3A_10) -> (i32)  : i32 {
      %mul3A_68 = arith.constant 16 : i32
      %mul3A_69 = arith.muli %scan3A_66, %mul3A_68 : i32
      %get3A = arith.constant 0 : i32
      %get3A_70 = arith.index_cast %get3A : i32 to index
      %get3A_71 = arith.index_cast %mul3A_69 : i32 to index
      %get3A_72 = tpu.vector_load %arg4[%get3A_70, %get3A_71] {strides = array<i32>} : memref<8x128xi32, #tpu.memory_space<vmem>>, vector<16xi32>,
      tpu.vector_store_idx %arg5[%get3A_72], %broadcast_in_dim3A_9 {add = true} : memref<1024xf32, #tpu.memory_space<vmem>>[vector<16xi32>], vector<16xf32>,
      %scan3A_73 = arith.constant 0 : i32
      scf.yield %scan3A_73 : i32
    }
    %scan3A_16 = arith.constant 8 : i32
    %scan3A_17 = arith.constant 0 : i32
    %scan3A_18 = arith.constant 0 : i32
    %scan3A_19 = arith.constant 8 : i32
    %scan3A_20 = arith.addi %scan3A_18, %scan3A_19 : i32
    %scan3A_21 = arith.constant 1 : i32
    %scan3A_22 = scf.for %scan3A_66 = %scan3A_18 to %scan3A_20 step %scan3A_21 iter_args(%scan3A_67 = %scan3A_17) -> (i32)  : i32 {
      %mul3A_68 = arith.constant 16 : i32
      %mul3A_69 = arith.muli %scan3A_66, %mul3A_68 : i32
      %get3A = arith.constant 1 : i32
      %get3A_70 = arith.index_cast %get3A : i32 to index
      %get3A_71 = arith.index_cast %mul3A_69 : i32 to index
      %get3A_72 = tpu.vector_load %arg4[%get3A_70, %get3A_71] {strides = array<i32>} : memref<8x128xi32, #tpu.memory_space<vmem>>, vector<16xi32>,
      tpu.vector_store_idx %arg5[%get3A_72], %broadcast_in_dim3A_9 {add = true} : memref<1024xf32, #tpu.memory_space<vmem>>[vector<16xi32>], vector<16xf32>,
      %scan3A_73 = arith.constant 0 : i32
      scf.yield %scan3A_73 : i32
    }
    %scan3A_23 = arith.constant 8 : i32
    %scan3A_24 = arith.constant 0 : i32
    %scan3A_25 = arith.constant 0 : i32
    %scan3A_26 = arith.constant 8 : i32
    %scan3A_27 = arith.addi %scan3A_25, %scan3A_26 : i32
    %scan3A_28 = arith.constant 1 : i32
    %scan3A_29 = scf.for %scan3A_66 = %scan3A_25 to %scan3A_27 step %scan3A_28 iter_args(%scan3A_67 = %scan3A_24) -> (i32)  : i32 {
      %mul3A_68 = arith.constant 16 : i32
      %mul3A_69 = arith.muli %scan3A_66, %mul3A_68 : i32
      %get3A = arith.constant 2 : i32
      %get3A_70 = arith.index_cast %get3A : i32 to index
      %get3A_71 = arith.index_cast %mul3A_69 : i32 to index
      %get3A_72 = tpu.vector_load %arg4[%get3A_70, %get3A_71] {strides = array<i32>} : memref<8x128xi32, #tpu.memory_space<vmem>>, vector<16xi32>,
      tpu.vector_store_idx %arg5[%get3A_72], %broadcast_in_dim3A_9 {add = true} : memref<1024xf32, #tpu.memory_space<vmem>>[vector<16xi32>], vector<16xf32>,
      %scan3A_73 = arith.constant 0 : i32
      scf.yield %scan3A_73 : i32
    }
    %scan3A_30 = arith.constant 8 : i32
    %scan3A_31 = arith.constant 0 : i32
    %scan3A_32 = arith.constant 0 : i32
    %scan3A_33 = arith.constant 8 : i32
    %scan3A_34 = arith.addi %scan3A_32, %scan3A_33 : i32
    %scan3A_35 = arith.constant 1 : i32
    %scan3A_36 = scf.for %scan3A_66 = %scan3A_32 to %scan3A_34 step %scan3A_35 iter_args(%scan3A_67 = %scan3A_31) -> (i32)  : i32 {
      %mul3A_68 = arith.constant 16 : i32
      %mul3A_69 = arith.muli %scan3A_66, %mul3A_68 : i32
      %get3A = arith.constant 3 : i32
      %get3A_70 = arith.index_cast %get3A : i32 to index
      %get3A_71 = arith.index_cast %mul3A_69 : i32 to index
      %get3A_72 = tpu.vector_load %arg4[%get3A_70, %get3A_71] {strides = array<i32>} : memref<8x128xi32, #tpu.memory_space<vmem>>, vector<16xi32>,
      tpu.vector_store_idx %arg5[%get3A_72], %broadcast_in_dim3A_9 {add = true} : memref<1024xf32, #tpu.memory_space<vmem>>[vector<16xi32>], vector<16xf32>,
      %scan3A_73 = arith.constant 0 : i32
      scf.yield %scan3A_73 : i32
    }
    %scan3A_37 = arith.constant 8 : i32
    %scan3A_38 = arith.constant 0 : i32
    %scan3A_39 = arith.constant 0 : i32
    %scan3A_40 = arith.constant 8 : i32
    %scan3A_41 = arith.addi %scan3A_39, %scan3A_40 : i32
    %scan3A_42 = arith.constant 1 : i32
    %scan3A_43 = scf.for %scan3A_66 = %scan3A_39 to %scan3A_41 step %scan3A_42 iter_args(%scan3A_67 = %scan3A_38) -> (i32)  : i32 {
      %mul3A_68 = arith.constant 16 : i32
      %mul3A_69 = arith.muli %scan3A_66, %mul3A_68 : i32
      %get3A = arith.constant 4 : i32
      %get3A_70 = arith.index_cast %get3A : i32 to index
      %get3A_71 = arith.index_cast %mul3A_69 : i32 to index
      %get3A_72 = tpu.vector_load %arg4[%get3A_70, %get3A_71] {strides = array<i32>} : memref<8x128xi32, #tpu.memory_space<vmem>>, vector<16xi32>,
      tpu.vector_store_idx %arg5[%get3A_72], %broadcast_in_dim3A_9 {add = true} : memref<1024xf32, #tpu.memory_space<vmem>>[vector<16xi32>], vector<16xf32>,
      %scan3A_73 = arith.constant 0 : i32
      scf.yield %scan3A_73 : i32
    }
    %scan3A_44 = arith.constant 8 : i32
    %scan3A_45 = arith.constant 0 : i32
    %scan3A_46 = arith.constant 0 : i32
    %scan3A_47 = arith.constant 8 : i32
    %scan3A_48 = arith.addi %scan3A_46, %scan3A_47 : i32
    %scan3A_49 = arith.constant 1 : i32
    %scan3A_50 = scf.for %scan3A_66 = %scan3A_46 to %scan3A_48 step %scan3A_49 iter_args(%scan3A_67 = %scan3A_45) -> (i32)  : i32 {
      %mul3A_68 = arith.constant 16 : i32
      %mul3A_69 = arith.muli %scan3A_66, %mul3A_68 : i32
      %get3A = arith.constant 5 : i32
      %get3A_70 = arith.index_cast %get3A : i32 to index
      %get3A_71 = arith.index_cast %mul3A_69 : i32 to index
      %get3A_72 = tpu.vector_load %arg4[%get3A_70, %get3A_71] {strides = array<i32>} : memref<8x128xi32, #tpu.memory_space<vmem>>, vector<16xi32>,
      tpu.vector_store_idx %arg5[%get3A_72], %broadcast_in_dim3A_9 {add = true} : memref<1024xf32, #tpu.memory_space<vmem>>[vector<16xi32>], vector<16xf32>,
      %scan3A_73 = arith.constant 0 : i32
      scf.yield %scan3A_73 : i32
    }
    %scan3A_51 = arith.constant 8 : i32
    %scan3A_52 = arith.constant 0 : i32
    %scan3A_53 = arith.constant 0 : i32
    %scan3A_54 = arith.constant 8 : i32
    %scan3A_55 = arith.addi %scan3A_53, %scan3A_54 : i32
    %scan3A_56 = arith.constant 1 : i32
    %scan3A_57 = scf.for %scan3A_66 = %scan3A_53 to %scan3A_55 step %scan3A_56 iter_args(%scan3A_67 = %scan3A_52) -> (i32)  : i32 {
      %mul3A_68 = arith.constant 16 : i32
      %mul3A_69 = arith.muli %scan3A_66, %mul3A_68 : i32
      %get3A = arith.constant 6 : i32
      %get3A_70 = arith.index_cast %get3A : i32 to index
      %get3A_71 = arith.index_cast %mul3A_69 : i32 to index
      %get3A_72 = tpu.vector_load %arg4[%get3A_70, %get3A_71] {strides = array<i32>} : memref<8x128xi32, #tpu.memory_space<vmem>>, vector<16xi32>,
      tpu.vector_store_idx %arg5[%get3A_72], %broadcast_in_dim3A_9 {add = true} : memref<1024xf32, #tpu.memory_space<vmem>>[vector<16xi32>], vector<16xf32>,
      %scan3A_73 = arith.constant 0 : i32
      scf.yield %scan3A_73 : i32
    }
    %scan3A_58 = arith.constant 8 : i32
    %scan3A_59 = arith.constant 0 : i32
    %scan3A_60 = arith.constant 0 : i32
    %scan3A_61 = arith.constant 8 : i32
    %scan3A_62 = arith.addi %scan3A_60, %scan3A_61 : i32
    %scan3A_63 = arith.constant 1 : i32
    %scan3A_64 = scf.for %scan3A_66 = %scan3A_60 to %scan3A_62 step %scan3A_63 iter_args(%scan3A_67 = %scan3A_59) -> (i32)  : i32 {
      %mul3A_68 = arith.constant 16 : i32
      %mul3A_69 = arith.muli %scan3A_66, %mul3A_68 : i32
      %get3A = arith.constant 7 : i32
      %get3A_70 = arith.index_cast %get3A : i32 to index
      %get3A_71 = arith.index_cast %mul3A_69 : i32 to index
      %get3A_72 = tpu.vector_load %arg4[%get3A_70, %get3A_71] {strides = array<i32>} : memref<8x128xi32, #tpu.memory_space<vmem>>, vector<16xi32>,
      tpu.vector_store_idx %arg5[%get3A_72], %broadcast_in_dim3A_9 {add = true} : memref<1024xf32, #tpu.memory_space<vmem>>[vector<16xi32>], vector<16xf32>,
      %scan3A_73 = arith.constant 0 : i32
      scf.yield %scan3A_73 : i32
    }
    %scan3A_65 = arith.constant 8 : i32
    "tpu.region"() ({
      %run_scoped3A = tpu.sem_alloc : memref<!tpu.dma_semaphore, #tpu.memory_space<semaphore_mem>>
      %dma_start3A = arith.constant 0 : i32
      %dma_start3A_66 = tpu.memref_slice %arg3[%add3A, %dma_start3A] : memref<32x1024xf32, #tpu.memory_space<hbm>> -> memref<1x1024xf32, #tpu.memory_space<hbm>>
      %dma_start3A_67 = tpu.memref_squeeze %dma_start3A_66 : memref<1x1024xf32, #tpu.memory_space<hbm>> -> memref<1024xf32, #tpu.memory_space<hbm>>
      %dma_start3A_68 = arith.constant 0 : i32
      %dma_start3A_69 = tpu.memref_slice %arg3[%add3A, %dma_start3A_68] : memref<32x1024xf32, #tpu.memory_space<hbm>> -> memref<1x1024xf32, #tpu.memory_space<hbm>>
      %dma_start3A_70 = tpu.memref_squeeze %dma_start3A_69 : memref<1x1024xf32, #tpu.memory_space<hbm>> -> memref<1024xf32, #tpu.memory_space<hbm>>
      tpu.enqueue_dma source(%arg5 : memref<1024xf32, #tpu.memory_space<vmem>>) target(%dma_start3A_70 : memref<1024xf32, #tpu.memory_space<hbm>>) target_semaphore(%run_scoped3A : memref<!tpu.dma_semaphore, #tpu.memory_space<semaphore_mem>>)
      %dma_wait3A = arith.constant 0 : i32
      %dma_wait3A_71 = tpu.memref_slice %arg3[%add3A, %dma_wait3A] : memref<32x1024xf32, #tpu.memory_space<hbm>> -> memref<1x1024xf32, #tpu.memory_space<hbm>>
      %dma_wait3A_72 = tpu.memref_squeeze %dma_wait3A_71 : memref<1x1024xf32, #tpu.memory_space<hbm>> -> memref<1024xf32, #tpu.memory_space<hbm>>
      %dma_wait3A_73 = arith.constant 0 : i32
      %dma_wait3A_74 = tpu.memref_slice %arg3[%add3A, %dma_wait3A_73] : memref<32x1024xf32, #tpu.memory_space<hbm>> -> memref<1x1024xf32, #tpu.memory_space<hbm>>
      %dma_wait3A_75 = tpu.memref_squeeze %dma_wait3A_74 : memref<1x1024xf32, #tpu.memory_space<hbm>> -> memref<1024xf32, #tpu.memory_space<hbm>>
      tpu.wait_dma2 semaphore(%run_scoped3A : memref<!tpu.dma_semaphore, #tpu.memory_space<semaphore_mem>>) src(%arg5 : memref<1024xf32, #tpu.memory_space<vmem>>) dst(%dma_wait3A_75 : memref<1024xf32, #tpu.memory_space<hbm>>)
      tpu.yield
    }) : () -> ()
    return
  }
}

module attributes {stable_mosaic.version = 14 : i64} {
  func.func @_tc_argmin_body(%arg0: i32, %arg1: memref<1x8x64x1024xf32, #tpu.memory_space<vmem>>, %arg2: memref<1024x64xf32, #tpu.memory_space<vmem>>, %arg3: memref<1x8x8x128xi32, #tpu.memory_space<vmem>>, %arg4: memref<1x8x64x1024xf32, #tpu.memory_space<vmem>>, %arg5: memref<1x1xf32, #tpu.memory_space<vmem>>) attributes {dimension_semantics = [#tpu.dimension_semantics<arbitrary>], iteration_bounds = array<i64: 4>, scalar_prefetch = 0 : i64, scratch_operands = 0 : i64, tpu.core_type = #tpu.core_type<tc>, window_params = [{transform_indices = @transform_0, window_bounds = array<i64: 1, 8, 64, 1024>}, {pipeline_mode = #tpu.pipeline_mode<synchronous>, transform_indices = @transform_1, window_bounds = array<i64: 1024, 64>}, {transform_indices = @transform_2, window_bounds = array<i64: 1, 8, 8, 128>}, {transform_indices = @transform_3, window_bounds = array<i64: 1, 8, 64, 1024>}, {pipeline_mode = #tpu.pipeline_mode<synchronous>, transform_indices = @transform_4, window_bounds = array<i64: 1, 1>}]} {
    %get3A = arith.constant 0 : index
    %get3A_0 = arith.constant 0 : index
    %get3A_1 = vector.load %arg2[%get3A, %get3A_0] : memref<1024x64xf32, #tpu.memory_space<vmem>>, vector<1024x64xf32>
    %mul3A = arith.mulf %get3A_1, %get3A_1 : vector<1024x64xf32>
    %reduce_sum3A = arith.constant dense<0.000000e+00> : vector<1024xf32>
    %reduce_sum3A_2 = vector.multi_reduction <add>, %mul3A, %reduce_sum3A [1] : vector<1024x64xf32> to vector<1024xf32>
    %broadcast_in_dim3A = vector.shape_cast %reduce_sum3A_2 : vector<1024xf32> to vector<1024x1xf32>
    %iota3A = tpu.iota {dimensions = array<i32: 0>} : vector<1024x1xi32>
    %convert_element_type3A = arith.sitofp %iota3A : vector<1024x1xi32> to vector<1024x1xf32>
    %broadcast_in_dim3A_3 = arith.constant 0.000000e+00 : f32
    %broadcast_in_dim3A_4 = vector.broadcast %broadcast_in_dim3A_3 : f32 to vector<1x1xf32>
    %get3A_5 = arith.constant 0 : index
    %get3A_6 = arith.constant 0 : index
    %get3A_7 = arith.constant 0 : index
    %get3A_8 = arith.constant 0 : index
    %get3A_9 = vector.load %arg1[%get3A_5, %get3A_6, %get3A_7, %get3A_8] : memref<1x8x64x1024xf32, #tpu.memory_space<vmem>>, vector<1x1x64x1024xf32>
    %get3A_10 = vector.shape_cast %get3A_9 : vector<1x1x64x1024xf32> to vector<64x1024xf32>
    %dot_general3A = arith.constant dense<0.000000e+00> : vector<1024x1024xf32>
    %dot_general3A_11 = tpu.matmul %get3A_1, %get3A_10, %dot_general3A {dimension_numbers = #tpu.dot_dimension_numbers<[1], [0], [0], [1], [0, 0, 1, 1], [], []>, transpose_lhs_hint = false} : vector<1024x64xf32>, vector<64x1024xf32>, vector<1024x1024xf32> -> vector<1024x1024xf32>
    %mul3A_12 = arith.constant 2.000000e+00 : f32
    %mul3A_13 = vector.broadcast %mul3A_12 : f32 to vector<1024x1024xf32>
    %mul3A_14 = arith.mulf %mul3A_13, %dot_general3A_11 : vector<1024x1024xf32>
    %sub3A = vector.broadcast %broadcast_in_dim3A : vector<1024x1xf32> to vector<1024x1024xf32>
    %sub3A_15 = arith.subf %sub3A, %mul3A_14 : vector<1024x1024xf32>
    %reduce_min3A = arith.constant dense<0x7F800000> : vector<1024xf32>
    %reduce_min3A_16 = vector.multi_reduction <minimumf>, %sub3A_15, %reduce_min3A [0] : vector<1024x1024xf32> to vector<1024xf32>
    %broadcast_in_dim3A_17 = vector.shape_cast %reduce_min3A_16 : vector<1024xf32> to vector<1x1024xf32>
    %eq3A = vector.broadcast %broadcast_in_dim3A_17 : vector<1x1024xf32> to vector<1024x1024xf32>
    %eq3A_18 = arith.cmpf oeq, %sub3A_15, %eq3A : vector<1024x1024xf32>
    %jit3A = arith.constant 1.024000e+03 : f32
    %broadcast_in_dim3A_19 = vector.shape_cast %convert_element_type3A : vector<1024x1xf32> to vector<1024x1xf32>
    %broadcast_in_dim3A_20 = vector.broadcast %broadcast_in_dim3A_19 : vector<1024x1xf32> to vector<1024x1024xf32>
    %broadcast_in_dim3A_21 = vector.broadcast %jit3A : f32 to vector<1024x1024xf32>
    %select_n3A = arith.select %eq3A_18, %broadcast_in_dim3A_20, %broadcast_in_dim3A_21 : vector<1024x1024xi1>, vector<1024x1024xf32>
    %reduce_min3A_22 = arith.constant dense<0x7F800000> : vector<1024xf32>
    %reduce_min3A_23 = vector.multi_reduction <minimumf>, %select_n3A, %reduce_min3A_22 [0] : vector<1024x1024xf32> to vector<1024xf32>
    %convert_element_type3A_24 = arith.fptosi %reduce_min3A_23 : vector<1024xf32> to vector<1024xi32>
    %reshape3A = vector.shape_cast %convert_element_type3A_24 : vector<1024xi32> to vector<8x128xi32>
    %swap3A = arith.constant 0 : index
    %swap3A_25 = arith.constant 0 : index
    %swap3A_26 = arith.constant 0 : index
    %swap3A_27 = arith.constant 0 : index
    %swap3A_28 = vector.load %arg3[%swap3A, %swap3A_25, %swap3A_26, %swap3A_27] : memref<1x8x8x128xi32, #tpu.memory_space<vmem>>, vector<1x1x8x128xi32>
    %swap3A_29 = vector.shape_cast %swap3A_28 : vector<1x1x8x128xi32> to vector<8x128xi32>
    %swap3A_30 = vector.shape_cast %reshape3A : vector<8x128xi32> to vector<1x1x8x128xi32>
    tpu.vector_store %arg3[%swap3A, %swap3A_25, %swap3A_26, %swap3A_27], %swap3A_30 {strides = array<i32>} : memref<1x8x8x128xi32, #tpu.memory_space<vmem>>, vector<1x1x8x128xi32>,
    %broadcast_in_dim3A_31 = vector.shape_cast %reduce_min3A_23 : vector<1024xf32> to vector<1x1024xf32>
    %eq3A_32 = vector.broadcast %convert_element_type3A : vector<1024x1xf32> to vector<1024x1024xf32>
    %eq3A_33 = vector.broadcast %broadcast_in_dim3A_31 : vector<1x1024xf32> to vector<1024x1024xf32>
    %eq3A_34 = arith.cmpf oeq, %eq3A_32, %eq3A_33 : vector<1024x1024xf32>
    %convert_element_type3A_35 = arith.extui %eq3A_34 : vector<1024x1024xi1> to vector<1024x1024xi32>
    %convert_element_type3A_36 = arith.sitofp %convert_element_type3A_35 : vector<1024x1024xi32> to vector<1024x1024xf32>
    %dot_general3A_37 = arith.constant dense<0.000000e+00> : vector<64x1024xf32>
    %dot_general3A_38 = tpu.matmul %get3A_1, %convert_element_type3A_36, %dot_general3A_37 {dimension_numbers = #tpu.dot_dimension_numbers<[0], [0], [1], [1], [0, 1, 1, 1], [], []>, precision = #tpu.contract_precision<fp32>, transpose_lhs_hint = false} : vector<1024x64xf32>, vector<1024x1024xf32>, vector<64x1024xf32> -> vector<64x1024xf32>
    %swap3A_39 = arith.constant 0 : index
    %swap3A_40 = arith.constant 0 : index
    %swap3A_41 = arith.constant 0 : index
    %swap3A_42 = arith.constant 0 : index
    %swap3A_43 = vector.load %arg4[%swap3A_39, %swap3A_40, %swap3A_41, %swap3A_42] : memref<1x8x64x1024xf32, #tpu.memory_space<vmem>>, vector<1x1x64x1024xf32>
    %swap3A_44 = vector.shape_cast %swap3A_43 : vector<1x1x64x1024xf32> to vector<64x1024xf32>
    %swap3A_45 = vector.shape_cast %dot_general3A_38 : vector<64x1024xf32> to vector<1x1x64x1024xf32>
    tpu.vector_store %arg4[%swap3A_39, %swap3A_40, %swap3A_41, %swap3A_42], %swap3A_45 {strides = array<i32>} : memref<1x8x64x1024xf32, #tpu.memory_space<vmem>>, vector<1x1x64x1024xf32>,
    %sub3A_46 = arith.subf %dot_general3A_38, %get3A_10 : vector<64x1024xf32>
    %mul3A_47 = arith.mulf %sub3A_46, %sub3A_46 : vector<64x1024xf32>
    %reduce_sum3A_48 = vector.shape_cast %mul3A_47 : vector<64x1024xf32> to vector<1x64x1024xf32>
    %reduce_sum3A_49 = arith.constant dense<0.000000e+00> : vector<1xf32>
    %reduce_sum3A_50 = vector.multi_reduction <add>, %reduce_sum3A_48, %reduce_sum3A_49 [1, 2] : vector<1x64x1024xf32> to vector<1xf32>
    %reduce_sum3A_51 = vector.shape_cast %reduce_sum3A_50 : vector<1xf32> to vector<1x1x1xf32>
    %reduce_sum3A_52 = vector.extract %reduce_sum3A_51[0, 0, 0] : f32 from vector<1x1x1xf32>
    %reshape3A_53 = vector.broadcast %reduce_sum3A_52 : f32 to vector<1x1xf32>
    %add3A = arith.addf %broadcast_in_dim3A_4, %reshape3A_53 : vector<1x1xf32>
    %get3A_54 = arith.constant 0 : index
    %get3A_55 = arith.constant 1 : index
    %get3A_56 = arith.constant 0 : index
    %get3A_57 = arith.constant 0 : index
    %get3A_58 = vector.load %arg1[%get3A_54, %get3A_55, %get3A_56, %get3A_57] : memref<1x8x64x1024xf32, #tpu.memory_space<vmem>>, vector<1x1x64x1024xf32>
    %get3A_59 = vector.shape_cast %get3A_58 : vector<1x1x64x1024xf32> to vector<64x1024xf32>
    %dot_general3A_60 = arith.constant dense<0.000000e+00> : vector<1024x1024xf32>
    %dot_general3A_61 = tpu.matmul %get3A_1, %get3A_59, %dot_general3A_60 {dimension_numbers = #tpu.dot_dimension_numbers<[1], [0], [0], [1], [0, 0, 1, 1], [], []>, transpose_lhs_hint = false} : vector<1024x64xf32>, vector<64x1024xf32>, vector<1024x1024xf32> -> vector<1024x1024xf32>
    %mul3A_62 = arith.constant 2.000000e+00 : f32
    %mul3A_63 = vector.broadcast %mul3A_62 : f32 to vector<1024x1024xf32>
    %mul3A_64 = arith.mulf %mul3A_63, %dot_general3A_61 : vector<1024x1024xf32>
    %sub3A_65 = vector.broadcast %broadcast_in_dim3A : vector<1024x1xf32> to vector<1024x1024xf32>
    %sub3A_66 = arith.subf %sub3A_65, %mul3A_64 : vector<1024x1024xf32>
    %reduce_min3A_67 = arith.constant dense<0x7F800000> : vector<1024xf32>
    %reduce_min3A_68 = vector.multi_reduction <minimumf>, %sub3A_66, %reduce_min3A_67 [0] : vector<1024x1024xf32> to vector<1024xf32>
    %broadcast_in_dim3A_69 = vector.shape_cast %reduce_min3A_68 : vector<1024xf32> to vector<1x1024xf32>
    %eq3A_70 = vector.broadcast %broadcast_in_dim3A_69 : vector<1x1024xf32> to vector<1024x1024xf32>
    %eq3A_71 = arith.cmpf oeq, %sub3A_66, %eq3A_70 : vector<1024x1024xf32>
    %jit3A_72 = arith.constant 1.024000e+03 : f32
    %broadcast_in_dim3A_73 = vector.shape_cast %convert_element_type3A : vector<1024x1xf32> to vector<1024x1xf32>
    %broadcast_in_dim3A_74 = vector.broadcast %broadcast_in_dim3A_73 : vector<1024x1xf32> to vector<1024x1024xf32>
    %broadcast_in_dim3A_75 = vector.broadcast %jit3A_72 : f32 to vector<1024x1024xf32>
    %select_n3A_76 = arith.select %eq3A_71, %broadcast_in_dim3A_74, %broadcast_in_dim3A_75 : vector<1024x1024xi1>, vector<1024x1024xf32>
    %reduce_min3A_77 = arith.constant dense<0x7F800000> : vector<1024xf32>
    %reduce_min3A_78 = vector.multi_reduction <minimumf>, %select_n3A_76, %reduce_min3A_77 [0] : vector<1024x1024xf32> to vector<1024xf32>
    %convert_element_type3A_79 = arith.fptosi %reduce_min3A_78 : vector<1024xf32> to vector<1024xi32>
    %reshape3A_80 = vector.shape_cast %convert_element_type3A_79 : vector<1024xi32> to vector<8x128xi32>
    %swap3A_81 = arith.constant 0 : index
    %swap3A_82 = arith.constant 1 : index
    %swap3A_83 = arith.constant 0 : index
    %swap3A_84 = arith.constant 0 : index
    %swap3A_85 = vector.load %arg3[%swap3A_81, %swap3A_82, %swap3A_83, %swap3A_84] : memref<1x8x8x128xi32, #tpu.memory_space<vmem>>, vector<1x1x8x128xi32>
    %swap3A_86 = vector.shape_cast %swap3A_85 : vector<1x1x8x128xi32> to vector<8x128xi32>
    %swap3A_87 = vector.shape_cast %reshape3A_80 : vector<8x128xi32> to vector<1x1x8x128xi32>
    tpu.vector_store %arg3[%swap3A_81, %swap3A_82, %swap3A_83, %swap3A_84], %swap3A_87 {strides = array<i32>} : memref<1x8x8x128xi32, #tpu.memory_space<vmem>>, vector<1x1x8x128xi32>,
    %broadcast_in_dim3A_88 = vector.shape_cast %reduce_min3A_78 : vector<1024xf32> to vector<1x1024xf32>
    %eq3A_89 = vector.broadcast %convert_element_type3A : vector<1024x1xf32> to vector<1024x1024xf32>
    %eq3A_90 = vector.broadcast %broadcast_in_dim3A_88 : vector<1x1024xf32> to vector<1024x1024xf32>
    %eq3A_91 = arith.cmpf oeq, %eq3A_89, %eq3A_90 : vector<1024x1024xf32>
    %convert_element_type3A_92 = arith.extui %eq3A_91 : vector<1024x1024xi1> to vector<1024x1024xi32>
    %convert_element_type3A_93 = arith.sitofp %convert_element_type3A_92 : vector<1024x1024xi32> to vector<1024x1024xf32>
    %dot_general3A_94 = arith.constant dense<0.000000e+00> : vector<64x1024xf32>
    %dot_general3A_95 = tpu.matmul %get3A_1, %convert_element_type3A_93, %dot_general3A_94 {dimension_numbers = #tpu.dot_dimension_numbers<[0], [0], [1], [1], [0, 1, 1, 1], [], []>, precision = #tpu.contract_precision<fp32>, transpose_lhs_hint = false} : vector<1024x64xf32>, vector<1024x1024xf32>, vector<64x1024xf32> -> vector<64x1024xf32>
    %swap3A_96 = arith.constant 0 : index
    %swap3A_97 = arith.constant 1 : index
    %swap3A_98 = arith.constant 0 : index
    %swap3A_99 = arith.constant 0 : index
    %swap3A_100 = vector.load %arg4[%swap3A_96, %swap3A_97, %swap3A_98, %swap3A_99] : memref<1x8x64x1024xf32, #tpu.memory_space<vmem>>, vector<1x1x64x1024xf32>
    %swap3A_101 = vector.shape_cast %swap3A_100 : vector<1x1x64x1024xf32> to vector<64x1024xf32>
    %swap3A_102 = vector.shape_cast %dot_general3A_95 : vector<64x1024xf32> to vector<1x1x64x1024xf32>
    tpu.vector_store %arg4[%swap3A_96, %swap3A_97, %swap3A_98, %swap3A_99], %swap3A_102 {strides = array<i32>} : memref<1x8x64x1024xf32, #tpu.memory_space<vmem>>, vector<1x1x64x1024xf32>,
    %sub3A_103 = arith.subf %dot_general3A_95, %get3A_59 : vector<64x1024xf32>
    %mul3A_104 = arith.mulf %sub3A_103, %sub3A_103 : vector<64x1024xf32>
    %reduce_sum3A_105 = vector.shape_cast %mul3A_104 : vector<64x1024xf32> to vector<1x64x1024xf32>
    %reduce_sum3A_106 = arith.constant dense<0.000000e+00> : vector<1xf32>
    %reduce_sum3A_107 = vector.multi_reduction <add>, %reduce_sum3A_105, %reduce_sum3A_106 [1, 2] : vector<1x64x1024xf32> to vector<1xf32>
    %reduce_sum3A_108 = vector.shape_cast %reduce_sum3A_107 : vector<1xf32> to vector<1x1x1xf32>
    %reduce_sum3A_109 = vector.extract %reduce_sum3A_108[0, 0, 0] : f32 from vector<1x1x1xf32>
    %reshape3A_110 = vector.broadcast %reduce_sum3A_109 : f32 to vector<1x1xf32>
    %add3A_111 = arith.addf %add3A, %reshape3A_110 : vector<1x1xf32>
    %get3A_112 = arith.constant 0 : index
    %get3A_113 = arith.constant 2 : index
    %get3A_114 = arith.constant 0 : index
    %get3A_115 = arith.constant 0 : index
    %get3A_116 = vector.load %arg1[%get3A_112, %get3A_113, %get3A_114, %get3A_115] : memref<1x8x64x1024xf32, #tpu.memory_space<vmem>>, vector<1x1x64x1024xf32>
    %get3A_117 = vector.shape_cast %get3A_116 : vector<1x1x64x1024xf32> to vector<64x1024xf32>
    %dot_general3A_118 = arith.constant dense<0.000000e+00> : vector<1024x1024xf32>
    %dot_general3A_119 = tpu.matmul %get3A_1, %get3A_117, %dot_general3A_118 {dimension_numbers = #tpu.dot_dimension_numbers<[1], [0], [0], [1], [0, 0, 1, 1], [], []>, transpose_lhs_hint = false} : vector<1024x64xf32>, vector<64x1024xf32>, vector<1024x1024xf32> -> vector<1024x1024xf32>
    %mul3A_120 = arith.constant 2.000000e+00 : f32
    %mul3A_121 = vector.broadcast %mul3A_120 : f32 to vector<1024x1024xf32>
    %mul3A_122 = arith.mulf %mul3A_121, %dot_general3A_119 : vector<1024x1024xf32>
    %sub3A_123 = vector.broadcast %broadcast_in_dim3A : vector<1024x1xf32> to vector<1024x1024xf32>
    %sub3A_124 = arith.subf %sub3A_123, %mul3A_122 : vector<1024x1024xf32>
    %reduce_min3A_125 = arith.constant dense<0x7F800000> : vector<1024xf32>
    %reduce_min3A_126 = vector.multi_reduction <minimumf>, %sub3A_124, %reduce_min3A_125 [0] : vector<1024x1024xf32> to vector<1024xf32>
    %broadcast_in_dim3A_127 = vector.shape_cast %reduce_min3A_126 : vector<1024xf32> to vector<1x1024xf32>
    %eq3A_128 = vector.broadcast %broadcast_in_dim3A_127 : vector<1x1024xf32> to vector<1024x1024xf32>
    %eq3A_129 = arith.cmpf oeq, %sub3A_124, %eq3A_128 : vector<1024x1024xf32>
    %jit3A_130 = arith.constant 1.024000e+03 : f32
    %broadcast_in_dim3A_131 = vector.shape_cast %convert_element_type3A : vector<1024x1xf32> to vector<1024x1xf32>
    %broadcast_in_dim3A_132 = vector.broadcast %broadcast_in_dim3A_131 : vector<1024x1xf32> to vector<1024x1024xf32>
    %broadcast_in_dim3A_133 = vector.broadcast %jit3A_130 : f32 to vector<1024x1024xf32>
    %select_n3A_134 = arith.select %eq3A_129, %broadcast_in_dim3A_132, %broadcast_in_dim3A_133 : vector<1024x1024xi1>, vector<1024x1024xf32>
    %reduce_min3A_135 = arith.constant dense<0x7F800000> : vector<1024xf32>
    %reduce_min3A_136 = vector.multi_reduction <minimumf>, %select_n3A_134, %reduce_min3A_135 [0] : vector<1024x1024xf32> to vector<1024xf32>
    %convert_element_type3A_137 = arith.fptosi %reduce_min3A_136 : vector<1024xf32> to vector<1024xi32>
    %reshape3A_138 = vector.shape_cast %convert_element_type3A_137 : vector<1024xi32> to vector<8x128xi32>
    %swap3A_139 = arith.constant 0 : index
    %swap3A_140 = arith.constant 2 : index
    %swap3A_141 = arith.constant 0 : index
    %swap3A_142 = arith.constant 0 : index
    %swap3A_143 = vector.load %arg3[%swap3A_139, %swap3A_140, %swap3A_141, %swap3A_142] : memref<1x8x8x128xi32, #tpu.memory_space<vmem>>, vector<1x1x8x128xi32>
    %swap3A_144 = vector.shape_cast %swap3A_143 : vector<1x1x8x128xi32> to vector<8x128xi32>
    %swap3A_145 = vector.shape_cast %reshape3A_138 : vector<8x128xi32> to vector<1x1x8x128xi32>
    tpu.vector_store %arg3[%swap3A_139, %swap3A_140, %swap3A_141, %swap3A_142], %swap3A_145 {strides = array<i32>} : memref<1x8x8x128xi32, #tpu.memory_space<vmem>>, vector<1x1x8x128xi32>,
    %broadcast_in_dim3A_146 = vector.shape_cast %reduce_min3A_136 : vector<1024xf32> to vector<1x1024xf32>
    %eq3A_147 = vector.broadcast %convert_element_type3A : vector<1024x1xf32> to vector<1024x1024xf32>
    %eq3A_148 = vector.broadcast %broadcast_in_dim3A_146 : vector<1x1024xf32> to vector<1024x1024xf32>
    %eq3A_149 = arith.cmpf oeq, %eq3A_147, %eq3A_148 : vector<1024x1024xf32>
    %convert_element_type3A_150 = arith.extui %eq3A_149 : vector<1024x1024xi1> to vector<1024x1024xi32>
    %convert_element_type3A_151 = arith.sitofp %convert_element_type3A_150 : vector<1024x1024xi32> to vector<1024x1024xf32>
    %dot_general3A_152 = arith.constant dense<0.000000e+00> : vector<64x1024xf32>
    %dot_general3A_153 = tpu.matmul %get3A_1, %convert_element_type3A_151, %dot_general3A_152 {dimension_numbers = #tpu.dot_dimension_numbers<[0], [0], [1], [1], [0, 1, 1, 1], [], []>, precision = #tpu.contract_precision<fp32>, transpose_lhs_hint = false} : vector<1024x64xf32>, vector<1024x1024xf32>, vector<64x1024xf32> -> vector<64x1024xf32>
    %swap3A_154 = arith.constant 0 : index
    %swap3A_155 = arith.constant 2 : index
    %swap3A_156 = arith.constant 0 : index
    %swap3A_157 = arith.constant 0 : index
    %swap3A_158 = vector.load %arg4[%swap3A_154, %swap3A_155, %swap3A_156, %swap3A_157] : memref<1x8x64x1024xf32, #tpu.memory_space<vmem>>, vector<1x1x64x1024xf32>
    %swap3A_159 = vector.shape_cast %swap3A_158 : vector<1x1x64x1024xf32> to vector<64x1024xf32>
    %swap3A_160 = vector.shape_cast %dot_general3A_153 : vector<64x1024xf32> to vector<1x1x64x1024xf32>
    tpu.vector_store %arg4[%swap3A_154, %swap3A_155, %swap3A_156, %swap3A_157], %swap3A_160 {strides = array<i32>} : memref<1x8x64x1024xf32, #tpu.memory_space<vmem>>, vector<1x1x64x1024xf32>,
    %sub3A_161 = arith.subf %dot_general3A_153, %get3A_117 : vector<64x1024xf32>
    %mul3A_162 = arith.mulf %sub3A_161, %sub3A_161 : vector<64x1024xf32>
    %reduce_sum3A_163 = vector.shape_cast %mul3A_162 : vector<64x1024xf32> to vector<1x64x1024xf32>
    %reduce_sum3A_164 = arith.constant dense<0.000000e+00> : vector<1xf32>
    %reduce_sum3A_165 = vector.multi_reduction <add>, %reduce_sum3A_163, %reduce_sum3A_164 [1, 2] : vector<1x64x1024xf32> to vector<1xf32>
    %reduce_sum3A_166 = vector.shape_cast %reduce_sum3A_165 : vector<1xf32> to vector<1x1x1xf32>
    %reduce_sum3A_167 = vector.extract %reduce_sum3A_166[0, 0, 0] : f32 from vector<1x1x1xf32>
    %reshape3A_168 = vector.broadcast %reduce_sum3A_167 : f32 to vector<1x1xf32>
    %add3A_169 = arith.addf %add3A_111, %reshape3A_168 : vector<1x1xf32>
    %get3A_170 = arith.constant 0 : index
    %get3A_171 = arith.constant 3 : index
    %get3A_172 = arith.constant 0 : index
    %get3A_173 = arith.constant 0 : index
    %get3A_174 = vector.load %arg1[%get3A_170, %get3A_171, %get3A_172, %get3A_173] : memref<1x8x64x1024xf32, #tpu.memory_space<vmem>>, vector<1x1x64x1024xf32>
    %get3A_175 = vector.shape_cast %get3A_174 : vector<1x1x64x1024xf32> to vector<64x1024xf32>
    %dot_general3A_176 = arith.constant dense<0.000000e+00> : vector<1024x1024xf32>
    %dot_general3A_177 = tpu.matmul %get3A_1, %get3A_175, %dot_general3A_176 {dimension_numbers = #tpu.dot_dimension_numbers<[1], [0], [0], [1], [0, 0, 1, 1], [], []>, transpose_lhs_hint = false} : vector<1024x64xf32>, vector<64x1024xf32>, vector<1024x1024xf32> -> vector<1024x1024xf32>
    %mul3A_178 = arith.constant 2.000000e+00 : f32
    %mul3A_179 = vector.broadcast %mul3A_178 : f32 to vector<1024x1024xf32>
    %mul3A_180 = arith.mulf %mul3A_179, %dot_general3A_177 : vector<1024x1024xf32>
    %sub3A_181 = vector.broadcast %broadcast_in_dim3A : vector<1024x1xf32> to vector<1024x1024xf32>
    %sub3A_182 = arith.subf %sub3A_181, %mul3A_180 : vector<1024x1024xf32>
    %reduce_min3A_183 = arith.constant dense<0x7F800000> : vector<1024xf32>
    %reduce_min3A_184 = vector.multi_reduction <minimumf>, %sub3A_182, %reduce_min3A_183 [0] : vector<1024x1024xf32> to vector<1024xf32>
    %broadcast_in_dim3A_185 = vector.shape_cast %reduce_min3A_184 : vector<1024xf32> to vector<1x1024xf32>
    %eq3A_186 = vector.broadcast %broadcast_in_dim3A_185 : vector<1x1024xf32> to vector<1024x1024xf32>
    %eq3A_187 = arith.cmpf oeq, %sub3A_182, %eq3A_186 : vector<1024x1024xf32>
    %jit3A_188 = arith.constant 1.024000e+03 : f32
    %broadcast_in_dim3A_189 = vector.shape_cast %convert_element_type3A : vector<1024x1xf32> to vector<1024x1xf32>
    %broadcast_in_dim3A_190 = vector.broadcast %broadcast_in_dim3A_189 : vector<1024x1xf32> to vector<1024x1024xf32>
    %broadcast_in_dim3A_191 = vector.broadcast %jit3A_188 : f32 to vector<1024x1024xf32>
    %select_n3A_192 = arith.select %eq3A_187, %broadcast_in_dim3A_190, %broadcast_in_dim3A_191 : vector<1024x1024xi1>, vector<1024x1024xf32>
    %reduce_min3A_193 = arith.constant dense<0x7F800000> : vector<1024xf32>
    %reduce_min3A_194 = vector.multi_reduction <minimumf>, %select_n3A_192, %reduce_min3A_193 [0] : vector<1024x1024xf32> to vector<1024xf32>
    %convert_element_type3A_195 = arith.fptosi %reduce_min3A_194 : vector<1024xf32> to vector<1024xi32>
    %reshape3A_196 = vector.shape_cast %convert_element_type3A_195 : vector<1024xi32> to vector<8x128xi32>
    %swap3A_197 = arith.constant 0 : index
    %swap3A_198 = arith.constant 3 : index
    %swap3A_199 = arith.constant 0 : index
    %swap3A_200 = arith.constant 0 : index
    %swap3A_201 = vector.load %arg3[%swap3A_197, %swap3A_198, %swap3A_199, %swap3A_200] : memref<1x8x8x128xi32, #tpu.memory_space<vmem>>, vector<1x1x8x128xi32>
    %swap3A_202 = vector.shape_cast %swap3A_201 : vector<1x1x8x128xi32> to vector<8x128xi32>
    %swap3A_203 = vector.shape_cast %reshape3A_196 : vector<8x128xi32> to vector<1x1x8x128xi32>
    tpu.vector_store %arg3[%swap3A_197, %swap3A_198, %swap3A_199, %swap3A_200], %swap3A_203 {strides = array<i32>} : memref<1x8x8x128xi32, #tpu.memory_space<vmem>>, vector<1x1x8x128xi32>,
    %broadcast_in_dim3A_204 = vector.shape_cast %reduce_min3A_194 : vector<1024xf32> to vector<1x1024xf32>
    %eq3A_205 = vector.broadcast %convert_element_type3A : vector<1024x1xf32> to vector<1024x1024xf32>
    %eq3A_206 = vector.broadcast %broadcast_in_dim3A_204 : vector<1x1024xf32> to vector<1024x1024xf32>
    %eq3A_207 = arith.cmpf oeq, %eq3A_205, %eq3A_206 : vector<1024x1024xf32>
    %convert_element_type3A_208 = arith.extui %eq3A_207 : vector<1024x1024xi1> to vector<1024x1024xi32>
    %convert_element_type3A_209 = arith.sitofp %convert_element_type3A_208 : vector<1024x1024xi32> to vector<1024x1024xf32>
    %dot_general3A_210 = arith.constant dense<0.000000e+00> : vector<64x1024xf32>
    %dot_general3A_211 = tpu.matmul %get3A_1, %convert_element_type3A_209, %dot_general3A_210 {dimension_numbers = #tpu.dot_dimension_numbers<[0], [0], [1], [1], [0, 1, 1, 1], [], []>, precision = #tpu.contract_precision<fp32>, transpose_lhs_hint = false} : vector<1024x64xf32>, vector<1024x1024xf32>, vector<64x1024xf32> -> vector<64x1024xf32>
    %swap3A_212 = arith.constant 0 : index
    %swap3A_213 = arith.constant 3 : index
    %swap3A_214 = arith.constant 0 : index
    %swap3A_215 = arith.constant 0 : index
    %swap3A_216 = vector.load %arg4[%swap3A_212, %swap3A_213, %swap3A_214, %swap3A_215] : memref<1x8x64x1024xf32, #tpu.memory_space<vmem>>, vector<1x1x64x1024xf32>
    %swap3A_217 = vector.shape_cast %swap3A_216 : vector<1x1x64x1024xf32> to vector<64x1024xf32>
    %swap3A_218 = vector.shape_cast %dot_general3A_211 : vector<64x1024xf32> to vector<1x1x64x1024xf32>
    tpu.vector_store %arg4[%swap3A_212, %swap3A_213, %swap3A_214, %swap3A_215], %swap3A_218 {strides = array<i32>} : memref<1x8x64x1024xf32, #tpu.memory_space<vmem>>, vector<1x1x64x1024xf32>,
    %sub3A_219 = arith.subf %dot_general3A_211, %get3A_175 : vector<64x1024xf32>
    %mul3A_220 = arith.mulf %sub3A_219, %sub3A_219 : vector<64x1024xf32>
    %reduce_sum3A_221 = vector.shape_cast %mul3A_220 : vector<64x1024xf32> to vector<1x64x1024xf32>
    %reduce_sum3A_222 = arith.constant dense<0.000000e+00> : vector<1xf32>
    %reduce_sum3A_223 = vector.multi_reduction <add>, %reduce_sum3A_221, %reduce_sum3A_222 [1, 2] : vector<1x64x1024xf32> to vector<1xf32>
    %reduce_sum3A_224 = vector.shape_cast %reduce_sum3A_223 : vector<1xf32> to vector<1x1x1xf32>
    %reduce_sum3A_225 = vector.extract %reduce_sum3A_224[0, 0, 0] : f32 from vector<1x1x1xf32>
    %reshape3A_226 = vector.broadcast %reduce_sum3A_225 : f32 to vector<1x1xf32>
    %add3A_227 = arith.addf %add3A_169, %reshape3A_226 : vector<1x1xf32>
    %get3A_228 = arith.constant 0 : index
    %get3A_229 = arith.constant 4 : index
    %get3A_230 = arith.constant 0 : index
    %get3A_231 = arith.constant 0 : index
    %get3A_232 = vector.load %arg1[%get3A_228, %get3A_229, %get3A_230, %get3A_231] : memref<1x8x64x1024xf32, #tpu.memory_space<vmem>>, vector<1x1x64x1024xf32>
    %get3A_233 = vector.shape_cast %get3A_232 : vector<1x1x64x1024xf32> to vector<64x1024xf32>
    %dot_general3A_234 = arith.constant dense<0.000000e+00> : vector<1024x1024xf32>
    %dot_general3A_235 = tpu.matmul %get3A_1, %get3A_233, %dot_general3A_234 {dimension_numbers = #tpu.dot_dimension_numbers<[1], [0], [0], [1], [0, 0, 1, 1], [], []>, transpose_lhs_hint = false} : vector<1024x64xf32>, vector<64x1024xf32>, vector<1024x1024xf32> -> vector<1024x1024xf32>
    %mul3A_236 = arith.constant 2.000000e+00 : f32
    %mul3A_237 = vector.broadcast %mul3A_236 : f32 to vector<1024x1024xf32>
    %mul3A_238 = arith.mulf %mul3A_237, %dot_general3A_235 : vector<1024x1024xf32>
    %sub3A_239 = vector.broadcast %broadcast_in_dim3A : vector<1024x1xf32> to vector<1024x1024xf32>
    %sub3A_240 = arith.subf %sub3A_239, %mul3A_238 : vector<1024x1024xf32>
    %reduce_min3A_241 = arith.constant dense<0x7F800000> : vector<1024xf32>
    %reduce_min3A_242 = vector.multi_reduction <minimumf>, %sub3A_240, %reduce_min3A_241 [0] : vector<1024x1024xf32> to vector<1024xf32>
    %broadcast_in_dim3A_243 = vector.shape_cast %reduce_min3A_242 : vector<1024xf32> to vector<1x1024xf32>
    %eq3A_244 = vector.broadcast %broadcast_in_dim3A_243 : vector<1x1024xf32> to vector<1024x1024xf32>
    %eq3A_245 = arith.cmpf oeq, %sub3A_240, %eq3A_244 : vector<1024x1024xf32>
    %jit3A_246 = arith.constant 1.024000e+03 : f32
    %broadcast_in_dim3A_247 = vector.shape_cast %convert_element_type3A : vector<1024x1xf32> to vector<1024x1xf32>
    %broadcast_in_dim3A_248 = vector.broadcast %broadcast_in_dim3A_247 : vector<1024x1xf32> to vector<1024x1024xf32>
    %broadcast_in_dim3A_249 = vector.broadcast %jit3A_246 : f32 to vector<1024x1024xf32>
    %select_n3A_250 = arith.select %eq3A_245, %broadcast_in_dim3A_248, %broadcast_in_dim3A_249 : vector<1024x1024xi1>, vector<1024x1024xf32>
    %reduce_min3A_251 = arith.constant dense<0x7F800000> : vector<1024xf32>
    %reduce_min3A_252 = vector.multi_reduction <minimumf>, %select_n3A_250, %reduce_min3A_251 [0] : vector<1024x1024xf32> to vector<1024xf32>
    %convert_element_type3A_253 = arith.fptosi %reduce_min3A_252 : vector<1024xf32> to vector<1024xi32>
    %reshape3A_254 = vector.shape_cast %convert_element_type3A_253 : vector<1024xi32> to vector<8x128xi32>
    %swap3A_255 = arith.constant 0 : index
    %swap3A_256 = arith.constant 4 : index
    %swap3A_257 = arith.constant 0 : index
    %swap3A_258 = arith.constant 0 : index
    %swap3A_259 = vector.load %arg3[%swap3A_255, %swap3A_256, %swap3A_257, %swap3A_258] : memref<1x8x8x128xi32, #tpu.memory_space<vmem>>, vector<1x1x8x128xi32>
    %swap3A_260 = vector.shape_cast %swap3A_259 : vector<1x1x8x128xi32> to vector<8x128xi32>
    %swap3A_261 = vector.shape_cast %reshape3A_254 : vector<8x128xi32> to vector<1x1x8x128xi32>
    tpu.vector_store %arg3[%swap3A_255, %swap3A_256, %swap3A_257, %swap3A_258], %swap3A_261 {strides = array<i32>} : memref<1x8x8x128xi32, #tpu.memory_space<vmem>>, vector<1x1x8x128xi32>,
    %broadcast_in_dim3A_262 = vector.shape_cast %reduce_min3A_252 : vector<1024xf32> to vector<1x1024xf32>
    %eq3A_263 = vector.broadcast %convert_element_type3A : vector<1024x1xf32> to vector<1024x1024xf32>
    %eq3A_264 = vector.broadcast %broadcast_in_dim3A_262 : vector<1x1024xf32> to vector<1024x1024xf32>
    %eq3A_265 = arith.cmpf oeq, %eq3A_263, %eq3A_264 : vector<1024x1024xf32>
    %convert_element_type3A_266 = arith.extui %eq3A_265 : vector<1024x1024xi1> to vector<1024x1024xi32>
    %convert_element_type3A_267 = arith.sitofp %convert_element_type3A_266 : vector<1024x1024xi32> to vector<1024x1024xf32>
    %dot_general3A_268 = arith.constant dense<0.000000e+00> : vector<64x1024xf32>
    %dot_general3A_269 = tpu.matmul %get3A_1, %convert_element_type3A_267, %dot_general3A_268 {dimension_numbers = #tpu.dot_dimension_numbers<[0], [0], [1], [1], [0, 1, 1, 1], [], []>, precision = #tpu.contract_precision<fp32>, transpose_lhs_hint = false} : vector<1024x64xf32>, vector<1024x1024xf32>, vector<64x1024xf32> -> vector<64x1024xf32>
    %swap3A_270 = arith.constant 0 : index
    %swap3A_271 = arith.constant 4 : index
    %swap3A_272 = arith.constant 0 : index
    %swap3A_273 = arith.constant 0 : index
    %swap3A_274 = vector.load %arg4[%swap3A_270, %swap3A_271, %swap3A_272, %swap3A_273] : memref<1x8x64x1024xf32, #tpu.memory_space<vmem>>, vector<1x1x64x1024xf32>
    %swap3A_275 = vector.shape_cast %swap3A_274 : vector<1x1x64x1024xf32> to vector<64x1024xf32>
    %swap3A_276 = vector.shape_cast %dot_general3A_269 : vector<64x1024xf32> to vector<1x1x64x1024xf32>
    tpu.vector_store %arg4[%swap3A_270, %swap3A_271, %swap3A_272, %swap3A_273], %swap3A_276 {strides = array<i32>} : memref<1x8x64x1024xf32, #tpu.memory_space<vmem>>, vector<1x1x64x1024xf32>,
    %sub3A_277 = arith.subf %dot_general3A_269, %get3A_233 : vector<64x1024xf32>
    %mul3A_278 = arith.mulf %sub3A_277, %sub3A_277 : vector<64x1024xf32>
    %reduce_sum3A_279 = vector.shape_cast %mul3A_278 : vector<64x1024xf32> to vector<1x64x1024xf32>
    %reduce_sum3A_280 = arith.constant dense<0.000000e+00> : vector<1xf32>
    %reduce_sum3A_281 = vector.multi_reduction <add>, %reduce_sum3A_279, %reduce_sum3A_280 [1, 2] : vector<1x64x1024xf32> to vector<1xf32>
    %reduce_sum3A_282 = vector.shape_cast %reduce_sum3A_281 : vector<1xf32> to vector<1x1x1xf32>
    %reduce_sum3A_283 = vector.extract %reduce_sum3A_282[0, 0, 0] : f32 from vector<1x1x1xf32>
    %reshape3A_284 = vector.broadcast %reduce_sum3A_283 : f32 to vector<1x1xf32>
    %add3A_285 = arith.addf %add3A_227, %reshape3A_284 : vector<1x1xf32>
    %get3A_286 = arith.constant 0 : index
    %get3A_287 = arith.constant 5 : index
    %get3A_288 = arith.constant 0 : index
    %get3A_289 = arith.constant 0 : index
    %get3A_290 = vector.load %arg1[%get3A_286, %get3A_287, %get3A_288, %get3A_289] : memref<1x8x64x1024xf32, #tpu.memory_space<vmem>>, vector<1x1x64x1024xf32>
    %get3A_291 = vector.shape_cast %get3A_290 : vector<1x1x64x1024xf32> to vector<64x1024xf32>
    %dot_general3A_292 = arith.constant dense<0.000000e+00> : vector<1024x1024xf32>
    %dot_general3A_293 = tpu.matmul %get3A_1, %get3A_291, %dot_general3A_292 {dimension_numbers = #tpu.dot_dimension_numbers<[1], [0], [0], [1], [0, 0, 1, 1], [], []>, transpose_lhs_hint = false} : vector<1024x64xf32>, vector<64x1024xf32>, vector<1024x1024xf32> -> vector<1024x1024xf32>
    %mul3A_294 = arith.constant 2.000000e+00 : f32
    %mul3A_295 = vector.broadcast %mul3A_294 : f32 to vector<1024x1024xf32>
    %mul3A_296 = arith.mulf %mul3A_295, %dot_general3A_293 : vector<1024x1024xf32>
    %sub3A_297 = vector.broadcast %broadcast_in_dim3A : vector<1024x1xf32> to vector<1024x1024xf32>
    %sub3A_298 = arith.subf %sub3A_297, %mul3A_296 : vector<1024x1024xf32>
    %reduce_min3A_299 = arith.constant dense<0x7F800000> : vector<1024xf32>
    %reduce_min3A_300 = vector.multi_reduction <minimumf>, %sub3A_298, %reduce_min3A_299 [0] : vector<1024x1024xf32> to vector<1024xf32>
    %broadcast_in_dim3A_301 = vector.shape_cast %reduce_min3A_300 : vector<1024xf32> to vector<1x1024xf32>
    %eq3A_302 = vector.broadcast %broadcast_in_dim3A_301 : vector<1x1024xf32> to vector<1024x1024xf32>
    %eq3A_303 = arith.cmpf oeq, %sub3A_298, %eq3A_302 : vector<1024x1024xf32>
    %jit3A_304 = arith.constant 1.024000e+03 : f32
    %broadcast_in_dim3A_305 = vector.shape_cast %convert_element_type3A : vector<1024x1xf32> to vector<1024x1xf32>
    %broadcast_in_dim3A_306 = vector.broadcast %broadcast_in_dim3A_305 : vector<1024x1xf32> to vector<1024x1024xf32>
    %broadcast_in_dim3A_307 = vector.broadcast %jit3A_304 : f32 to vector<1024x1024xf32>
    %select_n3A_308 = arith.select %eq3A_303, %broadcast_in_dim3A_306, %broadcast_in_dim3A_307 : vector<1024x1024xi1>, vector<1024x1024xf32>
    %reduce_min3A_309 = arith.constant dense<0x7F800000> : vector<1024xf32>
    %reduce_min3A_310 = vector.multi_reduction <minimumf>, %select_n3A_308, %reduce_min3A_309 [0] : vector<1024x1024xf32> to vector<1024xf32>
    %convert_element_type3A_311 = arith.fptosi %reduce_min3A_310 : vector<1024xf32> to vector<1024xi32>
    %reshape3A_312 = vector.shape_cast %convert_element_type3A_311 : vector<1024xi32> to vector<8x128xi32>
    %swap3A_313 = arith.constant 0 : index
    %swap3A_314 = arith.constant 5 : index
    %swap3A_315 = arith.constant 0 : index
    %swap3A_316 = arith.constant 0 : index
    %swap3A_317 = vector.load %arg3[%swap3A_313, %swap3A_314, %swap3A_315, %swap3A_316] : memref<1x8x8x128xi32, #tpu.memory_space<vmem>>, vector<1x1x8x128xi32>
    %swap3A_318 = vector.shape_cast %swap3A_317 : vector<1x1x8x128xi32> to vector<8x128xi32>
    %swap3A_319 = vector.shape_cast %reshape3A_312 : vector<8x128xi32> to vector<1x1x8x128xi32>
    tpu.vector_store %arg3[%swap3A_313, %swap3A_314, %swap3A_315, %swap3A_316], %swap3A_319 {strides = array<i32>} : memref<1x8x8x128xi32, #tpu.memory_space<vmem>>, vector<1x1x8x128xi32>,
    %broadcast_in_dim3A_320 = vector.shape_cast %reduce_min3A_310 : vector<1024xf32> to vector<1x1024xf32>
    %eq3A_321 = vector.broadcast %convert_element_type3A : vector<1024x1xf32> to vector<1024x1024xf32>
    %eq3A_322 = vector.broadcast %broadcast_in_dim3A_320 : vector<1x1024xf32> to vector<1024x1024xf32>
    %eq3A_323 = arith.cmpf oeq, %eq3A_321, %eq3A_322 : vector<1024x1024xf32>
    %convert_element_type3A_324 = arith.extui %eq3A_323 : vector<1024x1024xi1> to vector<1024x1024xi32>
    %convert_element_type3A_325 = arith.sitofp %convert_element_type3A_324 : vector<1024x1024xi32> to vector<1024x1024xf32>
    %dot_general3A_326 = arith.constant dense<0.000000e+00> : vector<64x1024xf32>
    %dot_general3A_327 = tpu.matmul %get3A_1, %convert_element_type3A_325, %dot_general3A_326 {dimension_numbers = #tpu.dot_dimension_numbers<[0], [0], [1], [1], [0, 1, 1, 1], [], []>, precision = #tpu.contract_precision<fp32>, transpose_lhs_hint = false} : vector<1024x64xf32>, vector<1024x1024xf32>, vector<64x1024xf32> -> vector<64x1024xf32>
    %swap3A_328 = arith.constant 0 : index
    %swap3A_329 = arith.constant 5 : index
    %swap3A_330 = arith.constant 0 : index
    %swap3A_331 = arith.constant 0 : index
    %swap3A_332 = vector.load %arg4[%swap3A_328, %swap3A_329, %swap3A_330, %swap3A_331] : memref<1x8x64x1024xf32, #tpu.memory_space<vmem>>, vector<1x1x64x1024xf32>
    %swap3A_333 = vector.shape_cast %swap3A_332 : vector<1x1x64x1024xf32> to vector<64x1024xf32>
    %swap3A_334 = vector.shape_cast %dot_general3A_327 : vector<64x1024xf32> to vector<1x1x64x1024xf32>
    tpu.vector_store %arg4[%swap3A_328, %swap3A_329, %swap3A_330, %swap3A_331], %swap3A_334 {strides = array<i32>} : memref<1x8x64x1024xf32, #tpu.memory_space<vmem>>, vector<1x1x64x1024xf32>,
    %sub3A_335 = arith.subf %dot_general3A_327, %get3A_291 : vector<64x1024xf32>
    %mul3A_336 = arith.mulf %sub3A_335, %sub3A_335 : vector<64x1024xf32>
    %reduce_sum3A_337 = vector.shape_cast %mul3A_336 : vector<64x1024xf32> to vector<1x64x1024xf32>
    %reduce_sum3A_338 = arith.constant dense<0.000000e+00> : vector<1xf32>
    %reduce_sum3A_339 = vector.multi_reduction <add>, %reduce_sum3A_337, %reduce_sum3A_338 [1, 2] : vector<1x64x1024xf32> to vector<1xf32>
    %reduce_sum3A_340 = vector.shape_cast %reduce_sum3A_339 : vector<1xf32> to vector<1x1x1xf32>
    %reduce_sum3A_341 = vector.extract %reduce_sum3A_340[0, 0, 0] : f32 from vector<1x1x1xf32>
    %reshape3A_342 = vector.broadcast %reduce_sum3A_341 : f32 to vector<1x1xf32>
    %add3A_343 = arith.addf %add3A_285, %reshape3A_342 : vector<1x1xf32>
    %get3A_344 = arith.constant 0 : index
    %get3A_345 = arith.constant 6 : index
    %get3A_346 = arith.constant 0 : index
    %get3A_347 = arith.constant 0 : index
    %get3A_348 = vector.load %arg1[%get3A_344, %get3A_345, %get3A_346, %get3A_347] : memref<1x8x64x1024xf32, #tpu.memory_space<vmem>>, vector<1x1x64x1024xf32>
    %get3A_349 = vector.shape_cast %get3A_348 : vector<1x1x64x1024xf32> to vector<64x1024xf32>
    %dot_general3A_350 = arith.constant dense<0.000000e+00> : vector<1024x1024xf32>
    %dot_general3A_351 = tpu.matmul %get3A_1, %get3A_349, %dot_general3A_350 {dimension_numbers = #tpu.dot_dimension_numbers<[1], [0], [0], [1], [0, 0, 1, 1], [], []>, transpose_lhs_hint = false} : vector<1024x64xf32>, vector<64x1024xf32>, vector<1024x1024xf32> -> vector<1024x1024xf32>
    %mul3A_352 = arith.constant 2.000000e+00 : f32
    %mul3A_353 = vector.broadcast %mul3A_352 : f32 to vector<1024x1024xf32>
    %mul3A_354 = arith.mulf %mul3A_353, %dot_general3A_351 : vector<1024x1024xf32>
    %sub3A_355 = vector.broadcast %broadcast_in_dim3A : vector<1024x1xf32> to vector<1024x1024xf32>
    %sub3A_356 = arith.subf %sub3A_355, %mul3A_354 : vector<1024x1024xf32>
    %reduce_min3A_357 = arith.constant dense<0x7F800000> : vector<1024xf32>
    %reduce_min3A_358 = vector.multi_reduction <minimumf>, %sub3A_356, %reduce_min3A_357 [0] : vector<1024x1024xf32> to vector<1024xf32>
    %broadcast_in_dim3A_359 = vector.shape_cast %reduce_min3A_358 : vector<1024xf32> to vector<1x1024xf32>
    %eq3A_360 = vector.broadcast %broadcast_in_dim3A_359 : vector<1x1024xf32> to vector<1024x1024xf32>
    %eq3A_361 = arith.cmpf oeq, %sub3A_356, %eq3A_360 : vector<1024x1024xf32>
    %jit3A_362 = arith.constant 1.024000e+03 : f32
    %broadcast_in_dim3A_363 = vector.shape_cast %convert_element_type3A : vector<1024x1xf32> to vector<1024x1xf32>
    %broadcast_in_dim3A_364 = vector.broadcast %broadcast_in_dim3A_363 : vector<1024x1xf32> to vector<1024x1024xf32>
    %broadcast_in_dim3A_365 = vector.broadcast %jit3A_362 : f32 to vector<1024x1024xf32>
    %select_n3A_366 = arith.select %eq3A_361, %broadcast_in_dim3A_364, %broadcast_in_dim3A_365 : vector<1024x1024xi1>, vector<1024x1024xf32>
    %reduce_min3A_367 = arith.constant dense<0x7F800000> : vector<1024xf32>
    %reduce_min3A_368 = vector.multi_reduction <minimumf>, %select_n3A_366, %reduce_min3A_367 [0] : vector<1024x1024xf32> to vector<1024xf32>
    %convert_element_type3A_369 = arith.fptosi %reduce_min3A_368 : vector<1024xf32> to vector<1024xi32>
    %reshape3A_370 = vector.shape_cast %convert_element_type3A_369 : vector<1024xi32> to vector<8x128xi32>
    %swap3A_371 = arith.constant 0 : index
    %swap3A_372 = arith.constant 6 : index
    %swap3A_373 = arith.constant 0 : index
    %swap3A_374 = arith.constant 0 : index
    %swap3A_375 = vector.load %arg3[%swap3A_371, %swap3A_372, %swap3A_373, %swap3A_374] : memref<1x8x8x128xi32, #tpu.memory_space<vmem>>, vector<1x1x8x128xi32>
    %swap3A_376 = vector.shape_cast %swap3A_375 : vector<1x1x8x128xi32> to vector<8x128xi32>
    %swap3A_377 = vector.shape_cast %reshape3A_370 : vector<8x128xi32> to vector<1x1x8x128xi32>
    tpu.vector_store %arg3[%swap3A_371, %swap3A_372, %swap3A_373, %swap3A_374], %swap3A_377 {strides = array<i32>} : memref<1x8x8x128xi32, #tpu.memory_space<vmem>>, vector<1x1x8x128xi32>,
    %broadcast_in_dim3A_378 = vector.shape_cast %reduce_min3A_368 : vector<1024xf32> to vector<1x1024xf32>
    %eq3A_379 = vector.broadcast %convert_element_type3A : vector<1024x1xf32> to vector<1024x1024xf32>
    %eq3A_380 = vector.broadcast %broadcast_in_dim3A_378 : vector<1x1024xf32> to vector<1024x1024xf32>
    %eq3A_381 = arith.cmpf oeq, %eq3A_379, %eq3A_380 : vector<1024x1024xf32>
    %convert_element_type3A_382 = arith.extui %eq3A_381 : vector<1024x1024xi1> to vector<1024x1024xi32>
    %convert_element_type3A_383 = arith.sitofp %convert_element_type3A_382 : vector<1024x1024xi32> to vector<1024x1024xf32>
    %dot_general3A_384 = arith.constant dense<0.000000e+00> : vector<64x1024xf32>
    %dot_general3A_385 = tpu.matmul %get3A_1, %convert_element_type3A_383, %dot_general3A_384 {dimension_numbers = #tpu.dot_dimension_numbers<[0], [0], [1], [1], [0, 1, 1, 1], [], []>, precision = #tpu.contract_precision<fp32>, transpose_lhs_hint = false} : vector<1024x64xf32>, vector<1024x1024xf32>, vector<64x1024xf32> -> vector<64x1024xf32>
    %swap3A_386 = arith.constant 0 : index
    %swap3A_387 = arith.constant 6 : index
    %swap3A_388 = arith.constant 0 : index
    %swap3A_389 = arith.constant 0 : index
    %swap3A_390 = vector.load %arg4[%swap3A_386, %swap3A_387, %swap3A_388, %swap3A_389] : memref<1x8x64x1024xf32, #tpu.memory_space<vmem>>, vector<1x1x64x1024xf32>
    %swap3A_391 = vector.shape_cast %swap3A_390 : vector<1x1x64x1024xf32> to vector<64x1024xf32>
    %swap3A_392 = vector.shape_cast %dot_general3A_385 : vector<64x1024xf32> to vector<1x1x64x1024xf32>
    tpu.vector_store %arg4[%swap3A_386, %swap3A_387, %swap3A_388, %swap3A_389], %swap3A_392 {strides = array<i32>} : memref<1x8x64x1024xf32, #tpu.memory_space<vmem>>, vector<1x1x64x1024xf32>,
    %sub3A_393 = arith.subf %dot_general3A_385, %get3A_349 : vector<64x1024xf32>
    %mul3A_394 = arith.mulf %sub3A_393, %sub3A_393 : vector<64x1024xf32>
    %reduce_sum3A_395 = vector.shape_cast %mul3A_394 : vector<64x1024xf32> to vector<1x64x1024xf32>
    %reduce_sum3A_396 = arith.constant dense<0.000000e+00> : vector<1xf32>
    %reduce_sum3A_397 = vector.multi_reduction <add>, %reduce_sum3A_395, %reduce_sum3A_396 [1, 2] : vector<1x64x1024xf32> to vector<1xf32>
    %reduce_sum3A_398 = vector.shape_cast %reduce_sum3A_397 : vector<1xf32> to vector<1x1x1xf32>
    %reduce_sum3A_399 = vector.extract %reduce_sum3A_398[0, 0, 0] : f32 from vector<1x1x1xf32>
    %reshape3A_400 = vector.broadcast %reduce_sum3A_399 : f32 to vector<1x1xf32>
    %add3A_401 = arith.addf %add3A_343, %reshape3A_400 : vector<1x1xf32>
    %get3A_402 = arith.constant 0 : index
    %get3A_403 = arith.constant 7 : index
    %get3A_404 = arith.constant 0 : index
    %get3A_405 = arith.constant 0 : index
    %get3A_406 = vector.load %arg1[%get3A_402, %get3A_403, %get3A_404, %get3A_405] : memref<1x8x64x1024xf32, #tpu.memory_space<vmem>>, vector<1x1x64x1024xf32>
    %get3A_407 = vector.shape_cast %get3A_406 : vector<1x1x64x1024xf32> to vector<64x1024xf32>
    %dot_general3A_408 = arith.constant dense<0.000000e+00> : vector<1024x1024xf32>
    %dot_general3A_409 = tpu.matmul %get3A_1, %get3A_407, %dot_general3A_408 {dimension_numbers = #tpu.dot_dimension_numbers<[1], [0], [0], [1], [0, 0, 1, 1], [], []>, transpose_lhs_hint = false} : vector<1024x64xf32>, vector<64x1024xf32>, vector<1024x1024xf32> -> vector<1024x1024xf32>
    %mul3A_410 = arith.constant 2.000000e+00 : f32
    %mul3A_411 = vector.broadcast %mul3A_410 : f32 to vector<1024x1024xf32>
    %mul3A_412 = arith.mulf %mul3A_411, %dot_general3A_409 : vector<1024x1024xf32>
    %sub3A_413 = vector.broadcast %broadcast_in_dim3A : vector<1024x1xf32> to vector<1024x1024xf32>
    %sub3A_414 = arith.subf %sub3A_413, %mul3A_412 : vector<1024x1024xf32>
    %reduce_min3A_415 = arith.constant dense<0x7F800000> : vector<1024xf32>
    %reduce_min3A_416 = vector.multi_reduction <minimumf>, %sub3A_414, %reduce_min3A_415 [0] : vector<1024x1024xf32> to vector<1024xf32>
    %broadcast_in_dim3A_417 = vector.shape_cast %reduce_min3A_416 : vector<1024xf32> to vector<1x1024xf32>
    %eq3A_418 = vector.broadcast %broadcast_in_dim3A_417 : vector<1x1024xf32> to vector<1024x1024xf32>
    %eq3A_419 = arith.cmpf oeq, %sub3A_414, %eq3A_418 : vector<1024x1024xf32>
    %jit3A_420 = arith.constant 1.024000e+03 : f32
    %broadcast_in_dim3A_421 = vector.shape_cast %convert_element_type3A : vector<1024x1xf32> to vector<1024x1xf32>
    %broadcast_in_dim3A_422 = vector.broadcast %broadcast_in_dim3A_421 : vector<1024x1xf32> to vector<1024x1024xf32>
    %broadcast_in_dim3A_423 = vector.broadcast %jit3A_420 : f32 to vector<1024x1024xf32>
    %select_n3A_424 = arith.select %eq3A_419, %broadcast_in_dim3A_422, %broadcast_in_dim3A_423 : vector<1024x1024xi1>, vector<1024x1024xf32>
    %reduce_min3A_425 = arith.constant dense<0x7F800000> : vector<1024xf32>
    %reduce_min3A_426 = vector.multi_reduction <minimumf>, %select_n3A_424, %reduce_min3A_425 [0] : vector<1024x1024xf32> to vector<1024xf32>
    %convert_element_type3A_427 = arith.fptosi %reduce_min3A_426 : vector<1024xf32> to vector<1024xi32>
    %reshape3A_428 = vector.shape_cast %convert_element_type3A_427 : vector<1024xi32> to vector<8x128xi32>
    %swap3A_429 = arith.constant 0 : index
    %swap3A_430 = arith.constant 7 : index
    %swap3A_431 = arith.constant 0 : index
    %swap3A_432 = arith.constant 0 : index
    %swap3A_433 = vector.load %arg3[%swap3A_429, %swap3A_430, %swap3A_431, %swap3A_432] : memref<1x8x8x128xi32, #tpu.memory_space<vmem>>, vector<1x1x8x128xi32>
    %swap3A_434 = vector.shape_cast %swap3A_433 : vector<1x1x8x128xi32> to vector<8x128xi32>
    %swap3A_435 = vector.shape_cast %reshape3A_428 : vector<8x128xi32> to vector<1x1x8x128xi32>
    tpu.vector_store %arg3[%swap3A_429, %swap3A_430, %swap3A_431, %swap3A_432], %swap3A_435 {strides = array<i32>} : memref<1x8x8x128xi32, #tpu.memory_space<vmem>>, vector<1x1x8x128xi32>,
    %broadcast_in_dim3A_436 = vector.shape_cast %reduce_min3A_426 : vector<1024xf32> to vector<1x1024xf32>
    %eq3A_437 = vector.broadcast %convert_element_type3A : vector<1024x1xf32> to vector<1024x1024xf32>
    %eq3A_438 = vector.broadcast %broadcast_in_dim3A_436 : vector<1x1024xf32> to vector<1024x1024xf32>
    %eq3A_439 = arith.cmpf oeq, %eq3A_437, %eq3A_438 : vector<1024x1024xf32>
    %convert_element_type3A_440 = arith.extui %eq3A_439 : vector<1024x1024xi1> to vector<1024x1024xi32>
    %convert_element_type3A_441 = arith.sitofp %convert_element_type3A_440 : vector<1024x1024xi32> to vector<1024x1024xf32>
    %dot_general3A_442 = arith.constant dense<0.000000e+00> : vector<64x1024xf32>
    %dot_general3A_443 = tpu.matmul %get3A_1, %convert_element_type3A_441, %dot_general3A_442 {dimension_numbers = #tpu.dot_dimension_numbers<[0], [0], [1], [1], [0, 1, 1, 1], [], []>, precision = #tpu.contract_precision<fp32>, transpose_lhs_hint = false} : vector<1024x64xf32>, vector<1024x1024xf32>, vector<64x1024xf32> -> vector<64x1024xf32>
    %swap3A_444 = arith.constant 0 : index
    %swap3A_445 = arith.constant 7 : index
    %swap3A_446 = arith.constant 0 : index
    %swap3A_447 = arith.constant 0 : index
    %swap3A_448 = vector.load %arg4[%swap3A_444, %swap3A_445, %swap3A_446, %swap3A_447] : memref<1x8x64x1024xf32, #tpu.memory_space<vmem>>, vector<1x1x64x1024xf32>
    %swap3A_449 = vector.shape_cast %swap3A_448 : vector<1x1x64x1024xf32> to vector<64x1024xf32>
    %swap3A_450 = vector.shape_cast %dot_general3A_443 : vector<64x1024xf32> to vector<1x1x64x1024xf32>
    tpu.vector_store %arg4[%swap3A_444, %swap3A_445, %swap3A_446, %swap3A_447], %swap3A_450 {strides = array<i32>} : memref<1x8x64x1024xf32, #tpu.memory_space<vmem>>, vector<1x1x64x1024xf32>,
    %sub3A_451 = arith.subf %dot_general3A_443, %get3A_407 : vector<64x1024xf32>
    %mul3A_452 = arith.mulf %sub3A_451, %sub3A_451 : vector<64x1024xf32>
    %reduce_sum3A_453 = vector.shape_cast %mul3A_452 : vector<64x1024xf32> to vector<1x64x1024xf32>
    %reduce_sum3A_454 = arith.constant dense<0.000000e+00> : vector<1xf32>
    %reduce_sum3A_455 = vector.multi_reduction <add>, %reduce_sum3A_453, %reduce_sum3A_454 [1, 2] : vector<1x64x1024xf32> to vector<1xf32>
    %reduce_sum3A_456 = vector.shape_cast %reduce_sum3A_455 : vector<1xf32> to vector<1x1x1xf32>
    %reduce_sum3A_457 = vector.extract %reduce_sum3A_456[0, 0, 0] : f32 from vector<1x1x1xf32>
    %reshape3A_458 = vector.broadcast %reduce_sum3A_457 : f32 to vector<1x1xf32>
    %add3A_459 = arith.addf %add3A_401, %reshape3A_458 : vector<1x1xf32>
    %eq3A_460 = arith.constant 0 : i32
    %eq3A_461 = arith.cmpi eq, %arg0, %eq3A_460 : i32
    %convert_element_type3A_462 = arith.extui %eq3A_461 : i1 to i32
    %cond3A = arith.constant 0 : i32
    %cond3A_463 = arith.cmpi ne, %convert_element_type3A_462, %cond3A : i32
    scf.if %cond3A_463 {
      %broadcast_in_dim3A_471 = arith.constant 0.000000e+00 : f32
      %broadcast_in_dim3A_472 = vector.broadcast %broadcast_in_dim3A_471 : f32 to vector<1x1xf32>
      %swap3A_473 = arith.constant 0 : index
      %swap3A_474 = arith.constant 0 : index
      %swap3A_475 = vector.load %arg5[%swap3A_473, %swap3A_474] : memref<1x1xf32, #tpu.memory_space<vmem>>, vector<1x1xf32>
      tpu.vector_store %arg5[%swap3A_473, %swap3A_474], %broadcast_in_dim3A_472 {strides = array<i32>} : memref<1x1xf32, #tpu.memory_space<vmem>>, vector<1x1xf32>,
    } else {
    }
    %get3A_464 = arith.constant 0 : index
    %get3A_465 = arith.constant 0 : index
    %get3A_466 = vector.load %arg5[%get3A_464, %get3A_465] : memref<1x1xf32, #tpu.memory_space<vmem>>, vector<1x1xf32>
    %add3A_467 = arith.addf %get3A_466, %add3A_459 : vector<1x1xf32>
    %swap3A_468 = arith.constant 0 : index
    %swap3A_469 = arith.constant 0 : index
    %swap3A_470 = vector.load %arg5[%swap3A_468, %swap3A_469] : memref<1x1xf32, #tpu.memory_space<vmem>>, vector<1x1xf32>
    tpu.vector_store %arg5[%swap3A_468, %swap3A_469], %add3A_467 {strides = array<i32>} : memref<1x1xf32, #tpu.memory_space<vmem>>, vector<1x1xf32>,
    return
  }
  func.func @transform_0(%arg0: i32) -> (i32, i32, i32, i32) {
    %c0_i32 = arith.constant 0 : i32
    %c0_i32_0 = arith.constant 0 : i32
    %c0_i32_1 = arith.constant 0 : i32
    %c0_i32_2 = arith.constant 0 : i32
    return %arg0, %c0_i32, %c0_i32_0, %c0_i32_1 : i32, i32, i32, i32
  }
  func.func @transform_1(%arg0: i32) -> (i32, i32) {
    %c0_i32 = arith.constant 0 : i32
    %c0_i32_0 = arith.constant 0 : i32
    %c0_i32_1 = arith.constant 0 : i32
    return %c0_i32, %c0_i32_0 : i32, i32
  }
  func.func @transform_2(%arg0: i32) -> (i32, i32, i32, i32) {
    %c0_i32 = arith.constant 0 : i32
    %c0_i32_0 = arith.constant 0 : i32
    %c0_i32_1 = arith.constant 0 : i32
    %c0_i32_2 = arith.constant 0 : i32
    return %arg0, %c0_i32, %c0_i32_0, %c0_i32_1 : i32, i32, i32, i32
  }
  func.func @transform_3(%arg0: i32) -> (i32, i32, i32, i32) {
    %c0_i32 = arith.constant 0 : i32
    %c0_i32_0 = arith.constant 0 : i32
    %c0_i32_1 = arith.constant 0 : i32
    %c0_i32_2 = arith.constant 0 : i32
    return %arg0, %c0_i32, %c0_i32_0, %c0_i32_1 : i32, i32, i32, i32
  }
  func.func @transform_4(%arg0: i32) -> (i32, i32) {
    %c0_i32 = arith.constant 0 : i32
    %c0_i32_0 = arith.constant 0 : i32
    %c0_i32_1 = arith.constant 0 : i32
    return %c0_i32, %c0_i32_0 : i32, i32
  }
}

module attributes {stable_mosaic.version = 14 : i64} {
  func.func @_tc_finalize_body(%arg0: memref<32x1024xf32, #tpu.memory_space<vmem>>, %arg1: memref<1x1xf32, #tpu.memory_space<vmem>>, %arg2: memref<1x1xf32, #tpu.memory_space<vmem>>, %arg3: memref<1x1xf32, #tpu.memory_space<vmem>>, %arg4: memref<1x1024xf32, #tpu.memory_space<vmem>>) attributes {dimension_semantics = [], scalar_prefetch = 0 : i64, scratch_operands = 0 : i64, tpu.core_type = #tpu.core_type<tc>} {
    %get3A = arith.constant 0 : index
    %get3A_0 = arith.constant 0 : index
    %get3A_1 = vector.load %arg0[%get3A, %get3A_0] : memref<32x1024xf32, #tpu.memory_space<vmem>>, vector<32x1024xf32>
    %reduce_sum3A = arith.constant dense<0.000000e+00> : vector<1024xf32>
    %reduce_sum3A_2 = vector.multi_reduction <add>, %get3A_1, %reduce_sum3A [0] : vector<32x1024xf32> to vector<1024xf32>
    %broadcast_in_dim3A = vector.shape_cast %reduce_sum3A_2 : vector<1024xf32> to vector<1x1024xf32>
    %mul3A = arith.constant 3.05175781E-5 : f32
    %mul3A_3 = vector.broadcast %mul3A : f32 to vector<1x1024xf32>
    %mul3A_4 = arith.mulf %broadcast_in_dim3A, %mul3A_3 : vector<1x1024xf32>
    %add3A = arith.constant 1.000000e-10 : f32
    %add3A_5 = vector.broadcast %add3A : f32 to vector<1x1024xf32>
    %add3A_6 = arith.addf %mul3A_4, %add3A_5 : vector<1x1024xf32>
    %log3A = math.log %add3A_6 : vector<1x1024xf32>
    %mul3A_7 = arith.mulf %mul3A_4, %log3A : vector<1x1024xf32>
    %reduce_sum3A_8 = vector.shape_cast %mul3A_7 : vector<1x1024xf32> to vector<1x1x1024xf32>
    %reduce_sum3A_9 = arith.constant dense<0.000000e+00> : vector<1xf32>
    %reduce_sum3A_10 = vector.multi_reduction <add>, %reduce_sum3A_8, %reduce_sum3A_9 [1, 2] : vector<1x1x1024xf32> to vector<1xf32>
    %reduce_sum3A_11 = vector.shape_cast %reduce_sum3A_10 : vector<1xf32> to vector<1x1x1xf32>
    %reduce_sum3A_12 = vector.extract %reduce_sum3A_11[0, 0, 0] : f32 from vector<1x1x1xf32>
    %neg3A = arith.constant 0.000000e+00 : f32
    %neg3A_13 = arith.subf %neg3A, %reduce_sum3A_12 : f32
    %exp3A = math.exp %neg3A_13 : f32
    %reshape3A = vector.broadcast %exp3A : f32 to vector<1x1xf32>
    %swap3A = arith.constant 0 : index
    %swap3A_14 = arith.constant 0 : index
    %swap3A_15 = vector.load %arg3[%swap3A, %swap3A_14] : memref<1x1xf32, #tpu.memory_space<vmem>>, vector<1x1xf32>
    tpu.vector_store %arg3[%swap3A, %swap3A_14], %reshape3A {strides = array<i32>} : memref<1x1xf32, #tpu.memory_space<vmem>>, vector<1x1xf32>,
    %gt3A = arith.constant 0.000000e+00 : f32
    %gt3A_16 = vector.broadcast %gt3A : f32 to vector<1x1024xf32>
    %gt3A_17 = arith.cmpf ogt, %broadcast_in_dim3A, %gt3A_16 : vector<1x1024xf32>
    %convert_element_type3A = arith.extui %gt3A_17 : vector<1x1024xi1> to vector<1x1024xi32>
    %convert_element_type3A_18 = arith.sitofp %convert_element_type3A : vector<1x1024xi32> to vector<1x1024xf32>
    %swap3A_19 = arith.constant 0 : index
    %swap3A_20 = arith.constant 0 : index
    %swap3A_21 = vector.load %arg4[%swap3A_19, %swap3A_20] : memref<1x1024xf32, #tpu.memory_space<vmem>>, vector<1x1024xf32>
    tpu.vector_store %arg4[%swap3A_19, %swap3A_20], %convert_element_type3A_18 {strides = array<i32>} : memref<1x1024xf32, #tpu.memory_space<vmem>>, vector<1x1024xf32>,
    %get3A_22 = arith.constant 0 : index
    %get3A_23 = arith.constant 0 : index
    %get3A_24 = vector.load %arg1[%get3A_22, %get3A_23] : memref<1x1xf32, #tpu.memory_space<vmem>>, vector<1x1xf32>
    %mul3A_25 = arith.constant 4.76837158E-7 : f32
    %mul3A_26 = vector.broadcast %mul3A_25 : f32 to vector<1x1xf32>
    %mul3A_27 = arith.mulf %get3A_24, %mul3A_26 : vector<1x1xf32>
    %swap3A_28 = arith.constant 0 : index
    %swap3A_29 = arith.constant 0 : index
    %swap3A_30 = vector.load %arg2[%swap3A_28, %swap3A_29] : memref<1x1xf32, #tpu.memory_space<vmem>>, vector<1x1xf32>
    tpu.vector_store %arg2[%swap3A_28, %swap3A_29], %mul3A_27 {strides = array<i32>} : memref<1x1xf32, #tpu.memory_space<vmem>>, vector<1x1xf32>,
    return
  }
}

</mosaic_0001>

<sc_bundles>
// kernel: kernel.5.cloned.1.call-start
scs
__scs_entry_jumppad:
0x0: {  	(pc) =	sbr.rel $0x88, $3  }
0x1: {  	(tag) =	ssettag $0x0;
	lr =	simm.s32 $0x1  }
0x2: {  	[smem:$0x3F9F] =	sst lr;
	_ =	strace $0xD0000000  }
0x3: {  	_ = 	snop  }
0x4: {  	_ = 	snop  }
0x5: {  	_ = 	snop  }
0x6: {  	_ = 	snop  }
0x7: {  	_ = 	snop  }
__scs_overlays_trampoline_lowered:
0x8: {  	[smem:$0x3FAE] =	sst s0  }
0x9: {  	[smem:$0x3FAF] =	sst s1  }
0xa: {  	[smem:$0x3FB0] =	sst s2  }
0xb: {  	[smem:$0x3FB1] =	sst s3  }
0xc: {  	[smem:$0x3FB2] =	sst s4  }
0xd: {  	[smem:$0x3FB3] =	sst s5  }
0xe: {  	[smem:$0x3FB4] =	sst s6  }
0xf: {  	[smem:$0x3FB5] =	sst s7  }
0x10: {  	[smem:$0x3FB6] =	sst s8  }
0x11: {  	[smem:$0x3FB7] =	sst s9;
	s0 =	simm.s32 @!p0 $0x0  }
0x12: {  	s1 =	sld [smem:$0x3F9D];
	s0 =	simm.s32 @p0 $0x1  }
0x13: {  	[smem:$0x3FB8] =	sst s0;
	s0 =	simm.s32 @!p1 $0x0  }
0x14: {  	s2 =	sld [smem:$0x3F9C];
	s0 =	simm.s32 @p1 $0x1  }
0x15: {  	[smem:$0x3FB9] =	sst s0;
	s0 =	simm.s32 @!p2 $0x0  }
0x16: {  	s3 =	sld [smem:$0x3FDB];
	s0 =	simm.s32 @p2 $0x1  }
0x17: {  	s4 =	simm.s32 $0x1BF5;
	[smem:$0x3FBB] =	sst s0  }
0x18: {  	s0 =	sld [smem:$0x3F9E];
	_ =	swait.ge [sflag:s4], $0x0  }
0x19: {  	s7 =	sld [smem:$0x3F9F]  }
0x1a: {  	s8 =	sadd.s32 $0xFFFFE003, lr  }
0x1b: {  	s9 =	sadd.s32 $0xFFFFFEF7, lr;
	s5 =	simm.s32 $0xFFFFFFFF;
	p2 =	slt.u32 s8, $0xFFFFF086  }
0x1c: {  	p1 =	slt.u32 s9, $0xF7A;
	s5 =	simm.s32 @!p2 $0x0  }
0x1d: {  	s5 =	simm.s32 @p1 $0x1;
	p0 =	seq.s32 s7, s2  }
0x1e: {  	s7 =	smul.u32 @!p0 $0xF7A, s2;
	p2 =	seq.s32 @!p0 s5, $0x0  }
0x1f: {  	s9 =	smul.u32 $0xF7A, s1;
	s8 =	simm.s32 @!p0 $0x1BF5;
	p2 =	por !p2, p0  }
0x20: {  	[sflag:s8] =	ssyncset.s32 @!p0 $0xFFFFF086;
	s6 =	sadd.s32 @!p0 s3, s7;
	s7 =	simm.s32 @!p0 $0x108  }
0x21: {  	s3 =	sadd.s32 s3, s9;
	s6 =	sadd.s32 @!p0 $0x88, s6;
	s7 =	simm.s32 @p2 $0x1082  }
0x22: {  	[simem:s7], [sflag:s8] =	dma.local @!p0 [hbm:s6], $0xF7A  }
0x23: {  	s9 =	sor.u32 $0xD0000000, s2;
	s6 =	simm.s32 $0x108;
	_ =	swait.ge @!p0 [sflag:s8], $0x0  }
0x24: {  	s3 =	sadd.s32 $0x88, s3;
	s6 =	simm.s32 @!p1 $0x1082;
	[sflag:s4] =	ssyncset.s32 $0xFFFFF086  }
0x25: {  	[simem:s6], [sflag:s4] =	dma.local [hbm:s3], $0xF7A  }
0x26: {  	[smem:$0x3F9F] =	sst s1;
	(tag) =	ssettag s2;
	_ =	strace s9  }
0x27: {  	s1 =	sld [smem:$0x3FAF]  }
0x28: {  	s2 =	sld [smem:$0x3FB0]  }
0x29: {  	s4 =	sld [smem:$0x3FB2]  }
0x2a: {  	p0 =	seq.s32 s5, $0x0;
	s5 =	sld [smem:$0x3FB3]  }
0x2b: {  	s6 =	sld [smem:$0x3FB4]  }
0x2c: {  	s7 =	sld [smem:$0x3FB5]  }
0x2d: {  	s3 =	simm.s32 $0x108;
	s8 =	sld [smem:$0x3FB6]  }
0x2e: {  	s3 =	simm.s32 @!p0 $0x1082;
	s9 =	sld [smem:$0x3FB7]  }
0x2f: {  	lr =	sadd.s32 s0, s3;
	s0 =	sld [smem:$0x3FAE]  }
0x30: {  	s3 =	sld [smem:$0x3FB1]  }
0x31: {  	[smem:$0x3FBA] =	sst s10  }
0x32: {  	s10 =	sld [smem:$0x3FB8];
	_ =	sdelay $0x3  }
0x33: {  	p0 =	seq.s32 s10, $0x1;
	s10 =	sld [smem:$0x3FBA];
	_ =	sdelay $0x3  }
0x34: {  	[smem:$0x3FBA] =	sst s10  }
0x35: {  	s10 =	sld [smem:$0x3FB9];
	_ =	sdelay $0x3  }
0x36: {  	p1 =	seq.s32 s10, $0x1;
	s10 =	sld [smem:$0x3FBA];
	_ =	sdelay $0x3  }
0x37: {  	[smem:$0x3FBA] =	sst s10  }
0x38: {  	s10 =	sld [smem:$0x3FBB]  }
0x39: {  	_ = 	snop;
	(pc) =	sbr.ind lr, $3  }
0x3a: {  	_ = 	snop  }
0x3b: {  	_ = 	snop  }
0x3c: {  	p2 =	seq.s32 s10, $0x1;
	s10 =	sld [smem:$0x3FBA]  }
0x3d: {  	_ =	shalt  }
0x3e: {  	_ =	shalt  }
0x3f: {  	_ =	shalt  }
0x40: {  	_ =	shalt  }
0x41: {  	_ =	shalt  }
0x42: {  	_ =	shalt  }
0x43: {  	_ =	shalt  }
0x44: {  	_ =	shalt  }
0x45: {  	_ =	shalt  }
0x46: {  	_ =	shalt  }
0x47: {  	_ =	shalt  }
0x48: {  	_ =	shalt  }
0x49: {  	_ =	shalt  }
0x4a: {  	_ =	shalt  }
0x4b: {  	_ =	shalt  }
0x4c: {  	_ =	shalt  }
0x4d: {  	_ =	shalt  }
0x4e: {  	_ =	shalt  }
0x4f: {  	_ =	shalt  }
0x50: {  	_ =	shalt  }
0x51: {  	_ =	shalt  }
0x52: {  	_ =	shalt  }
0x53: {  	_ =	shalt  }
0x54: {  	_ =	shalt  }
0x55: {  	_ =	shalt  }
0x56: {  	_ =	shalt  }
0x57: {  	_ =	shalt  }
0x58: {  	_ =	shalt  }
0x59: {  	_ =	shalt  }
0x5a: {  	_ =	shalt  }
0x5b: {  	_ =	shalt  }
0x5c: {  	_ =	shalt  }
0x5d: {  	_ =	shalt  }
0x5e: {  	_ =	shalt  }
0x5f: {  	_ =	shalt  }
0x60: {  	_ =	shalt  }
0x61: {  	_ =	shalt  }
0x62: {  	_ =	shalt  }
0x63: {  	_ =	shalt  }
0x64: {  	_ =	shalt  }
0x65: {  	_ =	shalt  }
0x66: {  	_ =	shalt  }
0x67: {  	_ =	shalt  }
0x68: {  	_ =	shalt  }
0x69: {  	_ =	shalt  }
0x6a: {  	_ =	shalt  }
0x6b: {  	_ =	shalt  }
0x6c: {  	_ =	shalt  }
0x6d: {  	_ =	shalt  }
0x6e: {  	_ =	shalt  }
0x6f: {  	_ =	shalt  }
0x70: {  	_ =	shalt  }
0x71: {  	_ =	shalt  }
0x72: {  	_ =	shalt  }
0x73: {  	_ =	shalt  }
0x74: {  	_ =	shalt  }
0x75: {  	_ =	shalt  }
0x76: {  	_ =	shalt  }
0x77: {  	_ =	shalt  }
0x78: {  	_ =	shalt  }
0x79: {  	_ =	shalt  }
0x7a: {  	_ =	shalt  }
0x7b: {  	_ =	shalt  }
0x7c: {  	_ =	shalt  }
0x7d: {  	_ =	shalt  }
0x7e: {  	_ =	shalt  }
0x7f: {  	_ =	shalt  }
0x80: {  	_ =	shalt  }
0x81: {  	_ =	shalt  }
0x82: {  	_ =	shalt  }
0x83: {  	_ =	shalt  }
0x84: {  	_ =	shalt  }
0x85: {  	_ =	shalt  }
0x86: {  	_ =	shalt  }
0x87: {  	_ =	shalt  }
.Lfunc_end0:
.L_simem_size_0:
called_computation_lowered:
.L_overlay_start_0:
0x88: {  	s2 =	sld [smem:$0x3FD9]  }
0x89: {  	s3 =	sld [smem:$0x3FFE];
	_ =	sdelay $0x1  }
0x8a: {  	s1 =	srdreg.scid  }
0x8b: {  	s0 =	sand.u32 $0x1, s1  }
0x8c: {  	s16 =	sshll.u32 s0, $0xA;
	s2 =	sadd.s32 s3, s2  }
0x8d: {  	s2 =	sadd.s32 s2, s16  }
0x8e: {  	[smem:$0x3FC6] =	sst s2  }
0x8f: {  	_ = 	snop  }
0x90: {  	(tm) =	ssettm $0x1  }
0x91: {  	s17 =	sld [smem:$0x3FFB];
	_ =	sdelay $0x3  }
0x92: {  	_ =	strace s17  }
0x93: {  	s2 =	sld [smem:$0x3FFC];
	_ =	sdelay $0x3  }
0x94: {  	_ =	strace s2  }
0x95: {  	s2 =	sld [smem:$0x3FFD];
	_ =	sdelay $0x3  }
0x96: {  	_ =	strace s2  }
0x97: {  	_ =	strace $0x8FFFFFFF  }
0x98: {  	s18 =	sld [smem:$0x3FDB];
	_ =	sdelay $0x1  }
0x99: {  	s19 =	simm.s32 $_scs_section_size  }
0x9a: {  	s4 =	simm.s32 $_size__tile_overlayer_lowered;
	s5 =	simm.s32 $_tile_overlayer_lowered  }
0x9b: {  	s22 =	simm.s32 $0x1BFF;
	s21 =	sshll.u32 s5, $0x1;
	s2 =	sadd.s32 s19, s18  }
0x9c: {  	s6 =	simm.s32 $0x0;
	s20 =	sshll.u32 s4, $0x1;
	s4 =	sadd.s32 s21, s2  }
0x9d: {  	[timem:s6], [sflag:s22] =	dma.local [hbm:s4], s20  }
0x9e: {  	_ =	swait.ge [sflag:s22], s20  }
0x9f: {  	s3 =	ssub.s32 $0x0, s20;
	[sflag:s22] =	ssyncset.done $0x0  }
0xa0: {  	[sflag:s22] =	ssyncadd.s32 s3;
	_ =	sdelay $0x1  }
0xa1: {  	s23 =	simm.s32 $0x1B8B  }
0xa2: {  	_ =	swait.ge [sflag:s23], $0x1  }
0xa3: {  	[sflag:s23] =	ssyncset.done $0x0  }
0xa4: {  	s25 =	simm.s32 $0x1B8E;
	s24 =	sld [smem:$0x3FFE];
	[sflag:s23] =	ssyncadd.s32 $0xFFFFFFFF  }
0xa5: {  	s26 =	simm.s32 $execute0_lowered;
	[smem:$0x3FD2] =	sst s25  }
0xa6: {  	s4 =	sshll.u32 s26, $0x1;
	_ =	strace $0x80000046;
	[dreg:$0x1] =	wrdreg $0xFFFFFFFF  }
0xa7: {  	s28 =	simm.s32 $_size_execute0_lowered;
	s2 =	sadd.s32 s2, s4;
	[dreg:$0x0] =	wrdreg $0x0  }
0xa8: {  	s4 =	sshll.u32 s28, $0x1;
	[dreg:$0x2] =	wrdreg s2  }
0xa9: {  	[dreg:$0x3] =	wrdreg s4  }
0xaa: {  	[dreg:$0x4] =	wrdreg $0xC0  }
0xab: {  	_ =	task [dreg:s6], $0x5FFFF  }
0xac: {  	[dreg:$0x1] =	wrdreg $0xFFFFFFFF  }
0xad: {  	[dreg:$0x0] =	wrdreg $0x60  }
0xae: {  	[dreg:$0x2] =	wrdreg s24  }
0xaf: {  	[dreg:$0x3] =	wrdreg $0x9  }
0xb0: {  	_ =	task.clear_ibuf [dreg:s6], $0x4FFFF;
	_ =	strace $0x90000046  }
0xb1: {  	s29 =	simm.s32 $0x9;
	_ =	strace $0x80000048  }
0xb2: {  	_ =	swait.ge [sflag:s29], $0x1  }
0xb3: {  	[sflag:s29] =	ssyncadd.s32 $0xFFFFFFFF  }
0xb4: {  	_ =	strace $0x90000048  }
0xb5: {  	_ =	sfence  }
0xb6: {  	s30 =	sld [smem:$0x0];
	_ =	sdelay $0x2  }
0xb7: {  	s31 =	sshll.u32 s1, $0xD;
	s1 =	sshrl.u32 s1, $0x2  }
0xb8: {  	s3 =	sand.u32 $0x4000, s31;
	s1 =	sadd.s32 s1, s30  }
0xb9: {  	s0 =	sor.u32 s3, s0;
	s1 =	sshll.u32 s1, $0x11  }
0xba: {  	s0 =	sor.u32 s1, s0  }
0xbb: {  	s0 =	sadd.s32 $0x8F2B, s0  }
0xbc: {  	[sflag:s0] =	ssyncadd.remote.s32 $0x1  }
0xbd: {  	_ =	sfence.sel $0xFFFF  }
0xbe: {  	[dreg:$0x0] =	wrdreg $0xFFFFFFFF;
	(pc) =	sbr.abs _section_cstart, $3  }
0xbf: {  	[dreg:$0x1] =	wrdreg $0xFFFFFFFF  }
0xc0: {  	_ =	task.clear_ibuf [dreg:s6], $0x2FFFF;
	_ =	strace $0x9FFFFFFF  }
0xc1: {  	(tm) =	ssettm $0x7FFFFFFF  }
tec
execute0_lowered:
.L_overlay_start_1:
0x0: {  	(tag) =	ssettag $0x1  }
0x1: {  	s3 =	rddreg [dreg:$0x0]  }
0x2: {  	s0 =	rddreg [dreg:$0x1];
	s4 =	srdreg.scid  }
0x3: {  	s2 =	simm.s32 $0x0;
	s1 =	stileid.u32;
	s4 =	sand.u32 $0x1, s4  }
0x4: {  	s7 =	simm.s32 $0x400;
	s5 =	sshll.u32 s1, $0x8;
	s6 =	sshll.u32 s4, $0x7  }
0x5: {  	s8 =	simm.s32 $0x0;
	s4 =	ssub.s32 $0x2, s4;
	s5 =	sor.u32 s6, s5  }
0x6: {  	[smem:$0x7FF] =	sst s2;
	s31 =	sshrl.u32 s4, $0x1;
	s5 =	sadd.s32 s5, s3  }
0x7: {  	_ =	strace $0x80000047;
	s6 =	ssub.s32 s4, s31;
	s3 =	sadd.s32 $0xE00, s5  }
0x8: {  	v0 =	vimm.f32 $0.0e+00;
	v1 =	vimm.f32 $1.000000000e+00;
	s4 =	sadd.s32 $0x1E00, s5;
	s5 =	smax.u32 s6, $0x1;
	s6 =	simm.s32 $0x1  }
.LBB2_1:
0x9: {  	[tilespmem:s2], [sflag:$0x1] =	stream.linear.gather [hbm4b:s3+s2], $0x400, $0x38;
	[tilespmem:$0x800] =	vst v63  }
0xa: {  	_ =	swait.ge [sflag:s6], $0x400  }
0xb: {  	[sflag:s6] =	ssyncset.done $0x0  }
0xc: {  	s9 =	simm.s32 $0x40;
	s10 =	simm.s32 $0x0;
	[sflag:s6] =	ssyncadd.s32 $0xFFFFFC00  }
.LBB2_2:
0xd: {  	p0 =	sne.s32 s9, $0xFC0;
	[tilespmem:s10+$0x400] =	vst v0;
	s10 =	smov.u32 s9;
	s9 =	sadd.s32 $0x40, s9  }
.Ltmp0:
0xe: {  	(pc) =	sbr.rel @p0 .LBB2_2-.Ltmp0, $2  }
0xf: {  	_ =	sdelay $0x2  }
0x10: {  	s10 =	sshra.s32 s10, $0x2  }
0x11: {  	[tilespmem:s10+$0x400] =	vst v0  }
0x12: {  	v2 =	vld [tilespmem:$0x0];
	_ =	sdelay $0x7  }
0x13: {  	[tilespmem:v2+s7+$0x0] =	vst.idx.add.f32.msk $0xffff, v1  }
0x14: {  	v2 =	vld [tilespmem:$0x10];
	_ =	sdelay $0x7  }
0x15: {  	[tilespmem:v2+s7+$0x0] =	vst.idx.add.f32.msk $0xffff, v1  }
0x16: {  	v2 =	vld [tilespmem:$0x20];
	_ =	sdelay $0x7  }
0x17: {  	[tilespmem:v2+s7+$0x0] =	vst.idx.add.f32.msk $0xffff, v1  }
0x18: {  	v2 =	vld [tilespmem:$0x30];
	_ =	sdelay $0x7  }
0x19: {  	[tilespmem:v2+s7+$0x0] =	vst.idx.add.f32.msk $0xffff, v1  }
0x1a: {  	v2 =	vld [tilespmem:$0x40];
	_ =	sdelay $0x7  }
0x1b: {  	[tilespmem:v2+s7+$0x0] =	vst.idx.add.f32.msk $0xffff, v1  }
0x1c: {  	v2 =	vld [tilespmem:$0x50];
	_ =	sdelay $0x7  }
0x1d: {  	[tilespmem:v2+s7+$0x0] =	vst.idx.add.f32.msk $0xffff, v1  }
0x1e: {  	v2 =	vld [tilespmem:$0x60];
	_ =	sdelay $0x7  }
0x1f: {  	[tilespmem:v2+s7+$0x0] =	vst.idx.add.f32.msk $0xffff, v1  }
0x20: {  	v2 =	vld [tilespmem:$0x70];
	_ =	sdelay $0x7  }
0x21: {  	[tilespmem:v2+s7+$0x0] =	vst.idx.add.f32.msk $0xffff, v1  }
0x22: {  	v2 =	vld [tilespmem:$0x80];
	_ =	sdelay $0x7  }
0x23: {  	[tilespmem:v2+s7+$0x0] =	vst.idx.add.f32.msk $0xffff, v1  }
0x24: {  	v2 =	vld [tilespmem:$0x90];
	_ =	sdelay $0x7  }
0x25: {  	[tilespmem:v2+s7+$0x0] =	vst.idx.add.f32.msk $0xffff, v1  }
0x26: {  	v2 =	vld [tilespmem:$0xA0];
	_ =	sdelay $0x7  }
0x27: {  	[tilespmem:v2+s7+$0x0] =	vst.idx.add.f32.msk $0xffff, v1  }
0x28: {  	v2 =	vld [tilespmem:$0xB0];
	_ =	sdelay $0x7  }
0x29: {  	[tilespmem:v2+s7+$0x0] =	vst.idx.add.f32.msk $0xffff, v1  }
0x2a: {  	v2 =	vld [tilespmem:$0xC0];
	_ =	sdelay $0x7  }
0x2b: {  	[tilespmem:v2+s7+$0x0] =	vst.idx.add.f32.msk $0xffff, v1  }
0x2c: {  	v2 =	vld [tilespmem:$0xD0];
	_ =	sdelay $0x7  }
0x2d: {  	[tilespmem:v2+s7+$0x0] =	vst.idx.add.f32.msk $0xffff, v1  }
0x2e: {  	v2 =	vld [tilespmem:$0xE0];
	_ =	sdelay $0x7  }
0x2f: {  	[tilespmem:v2+s7+$0x0] =	vst.idx.add.f32.msk $0xffff, v1  }
0x30: {  	v2 =	vld [tilespmem:$0xF0];
	_ =	sdelay $0x7  }
0x31: {  	[tilespmem:v2+s7+$0x0] =	vst.idx.add.f32.msk $0xffff, v1  }
0x32: {  	v2 =	vld [tilespmem:$0x100];
	_ =	sdelay $0x7  }
0x33: {  	[tilespmem:v2+s7+$0x0] =	vst.idx.add.f32.msk $0xffff, v1  }
0x34: {  	v2 =	vld [tilespmem:$0x110];
	_ =	sdelay $0x7  }
0x35: {  	[tilespmem:v2+s7+$0x0] =	vst.idx.add.f32.msk $0xffff, v1  }
0x36: {  	v2 =	vld [tilespmem:$0x120];
	_ =	sdelay $0x7  }
0x37: {  	[tilespmem:v2+s7+$0x0] =	vst.idx.add.f32.msk $0xffff, v1  }
0x38: {  	v2 =	vld [tilespmem:$0x130];
	_ =	sdelay $0x7  }
0x39: {  	[tilespmem:v2+s7+$0x0] =	vst.idx.add.f32.msk $0xffff, v1  }
0x3a: {  	v2 =	vld [tilespmem:$0x140];
	_ =	sdelay $0x7  }
0x3b: {  	[tilespmem:v2+s7+$0x0] =	vst.idx.add.f32.msk $0xffff, v1  }
0x3c: {  	v2 =	vld [tilespmem:$0x150];
	_ =	sdelay $0x7  }
0x3d: {  	[tilespmem:v2+s7+$0x0] =	vst.idx.add.f32.msk $0xffff, v1  }
0x3e: {  	v2 =	vld [tilespmem:$0x160];
	_ =	sdelay $0x7  }
0x3f: {  	[tilespmem:v2+s7+$0x0] =	vst.idx.add.f32.msk $0xffff, v1  }
0x40: {  	v2 =	vld [tilespmem:$0x170];
	_ =	sdelay $0x7  }
0x41: {  	[tilespmem:v2+s7+$0x0] =	vst.idx.add.f32.msk $0xffff, v1  }
0x42: {  	v2 =	vld [tilespmem:$0x180];
	_ =	sdelay $0x7  }
0x43: {  	[tilespmem:v2+s7+$0x0] =	vst.idx.add.f32.msk $0xffff, v1  }
0x44: {  	v2 =	vld [tilespmem:$0x190];
	_ =	sdelay $0x7  }
0x45: {  	[tilespmem:v2+s7+$0x0] =	vst.idx.add.f32.msk $0xffff, v1  }
0x46: {  	v2 =	vld [tilespmem:$0x1A0];
	_ =	sdelay $0x7  }
0x47: {  	[tilespmem:v2+s7+$0x0] =	vst.idx.add.f32.msk $0xffff, v1  }
0x48: {  	v2 =	vld [tilespmem:$0x1B0];
	_ =	sdelay $0x7  }
0x49: {  	[tilespmem:v2+s7+$0x0] =	vst.idx.add.f32.msk $0xffff, v1  }
0x4a: {  	v2 =	vld [tilespmem:$0x1C0];
	_ =	sdelay $0x7  }
0x4b: {  	[tilespmem:v2+s7+$0x0] =	vst.idx.add.f32.msk $0xffff, v1  }
0x4c: {  	v2 =	vld [tilespmem:$0x1D0];
	_ =	sdelay $0x7  }
0x4d: {  	[tilespmem:v2+s7+$0x0] =	vst.idx.add.f32.msk $0xffff, v1  }
0x4e: {  	v2 =	vld [tilespmem:$0x1E0];
	_ =	sdelay $0x7  }
0x4f: {  	[tilespmem:v2+s7+$0x0] =	vst.idx.add.f32.msk $0xffff, v1  }
0x50: {  	v2 =	vld [tilespmem:$0x1F0];
	_ =	sdelay $0x7  }
0x51: {  	[tilespmem:v2+s7+$0x0] =	vst.idx.add.f32.msk $0xffff, v1  }
0x52: {  	v2 =	vld [tilespmem:$0x200];
	_ =	sdelay $0x7  }
0x53: {  	[tilespmem:v2+s7+$0x0] =	vst.idx.add.f32.msk $0xffff, v1  }
0x54: {  	v2 =	vld [tilespmem:$0x210];
	_ =	sdelay $0x7  }
0x55: {  	[tilespmem:v2+s7+$0x0] =	vst.idx.add.f32.msk $0xffff, v1  }
0x56: {  	v2 =	vld [tilespmem:$0x220];
	_ =	sdelay $0x7  }
0x57: {  	[tilespmem:v2+s7+$0x0] =	vst.idx.add.f32.msk $0xffff, v1  }
0x58: {  	v2 =	vld [tilespmem:$0x230];
	_ =	sdelay $0x7  }
0x59: {  	[tilespmem:v2+s7+$0x0] =	vst.idx.add.f32.msk $0xffff, v1  }
0x5a: {  	v2 =	vld [tilespmem:$0x240];
	_ =	sdelay $0x7  }
0x5b: {  	[tilespmem:v2+s7+$0x0] =	vst.idx.add.f32.msk $0xffff, v1  }
0x5c: {  	v2 =	vld [tilespmem:$0x250];
	_ =	sdelay $0x7  }
0x5d: {  	[tilespmem:v2+s7+$0x0] =	vst.idx.add.f32.msk $0xffff, v1  }
0x5e: {  	v2 =	vld [tilespmem:$0x260];
	_ =	sdelay $0x7  }
0x5f: {  	[tilespmem:v2+s7+$0x0] =	vst.idx.add.f32.msk $0xffff, v1  }
0x60: {  	v2 =	vld [tilespmem:$0x270];
	_ =	sdelay $0x7  }
0x61: {  	[tilespmem:v2+s7+$0x0] =	vst.idx.add.f32.msk $0xffff, v1  }
0x62: {  	v2 =	vld [tilespmem:$0x280];
	_ =	sdelay $0x7  }
0x63: {  	[tilespmem:v2+s7+$0x0] =	vst.idx.add.f32.msk $0xffff, v1  }
0x64: {  	v2 =	vld [tilespmem:$0x290];
	_ =	sdelay $0x7  }
0x65: {  	[tilespmem:v2+s7+$0x0] =	vst.idx.add.f32.msk $0xffff, v1  }
0x66: {  	v2 =	vld [tilespmem:$0x2A0];
	_ =	sdelay $0x7  }
0x67: {  	[tilespmem:v2+s7+$0x0] =	vst.idx.add.f32.msk $0xffff, v1  }
0x68: {  	v2 =	vld [tilespmem:$0x2B0];
	_ =	sdelay $0x7  }
0x69: {  	[tilespmem:v2+s7+$0x0] =	vst.idx.add.f32.msk $0xffff, v1  }
0x6a: {  	v2 =	vld [tilespmem:$0x2C0];
	_ =	sdelay $0x7  }
0x6b: {  	[tilespmem:v2+s7+$0x0] =	vst.idx.add.f32.msk $0xffff, v1  }
0x6c: {  	v2 =	vld [tilespmem:$0x2D0];
	_ =	sdelay $0x7  }
0x6d: {  	[tilespmem:v2+s7+$0x0] =	vst.idx.add.f32.msk $0xffff, v1  }
0x6e: {  	v2 =	vld [tilespmem:$0x2E0];
	_ =	sdelay $0x7  }
0x6f: {  	[tilespmem:v2+s7+$0x0] =	vst.idx.add.f32.msk $0xffff, v1  }
0x70: {  	v2 =	vld [tilespmem:$0x2F0];
	_ =	sdelay $0x7  }
0x71: {  	[tilespmem:v2+s7+$0x0] =	vst.idx.add.f32.msk $0xffff, v1  }
0x72: {  	v2 =	vld [tilespmem:$0x300];
	_ =	sdelay $0x7  }
0x73: {  	[tilespmem:v2+s7+$0x0] =	vst.idx.add.f32.msk $0xffff, v1  }
0x74: {  	v2 =	vld [tilespmem:$0x310];
	_ =	sdelay $0x7  }
0x75: {  	[tilespmem:v2+s7+$0x0] =	vst.idx.add.f32.msk $0xffff, v1  }
0x76: {  	v2 =	vld [tilespmem:$0x320];
	_ =	sdelay $0x7  }
0x77: {  	[tilespmem:v2+s7+$0x0] =	vst.idx.add.f32.msk $0xffff, v1  }
0x78: {  	v2 =	vld [tilespmem:$0x330];
	_ =	sdelay $0x7  }
0x79: {  	[tilespmem:v2+s7+$0x0] =	vst.idx.add.f32.msk $0xffff, v1  }
0x7a: {  	v2 =	vld [tilespmem:$0x340];
	_ =	sdelay $0x7  }
0x7b: {  	[tilespmem:v2+s7+$0x0] =	vst.idx.add.f32.msk $0xffff, v1  }
0x7c: {  	v2 =	vld [tilespmem:$0x350];
	_ =	sdelay $0x7  }
0x7d: {  	[tilespmem:v2+s7+$0x0] =	vst.idx.add.f32.msk $0xffff, v1  }
0x7e: {  	v2 =	vld [tilespmem:$0x360];
	_ =	sdelay $0x7  }
0x7f: {  	[tilespmem:v2+s7+$0x0] =	vst.idx.add.f32.msk $0xffff, v1  }
0x80: {  	v2 =	vld [tilespmem:$0x370];
	_ =	sdelay $0x7  }
0x81: {  	[tilespmem:v2+s7+$0x0] =	vst.idx.add.f32.msk $0xffff, v1  }
0x82: {  	v2 =	vld [tilespmem:$0x380];
	_ =	sdelay $0x7  }
0x83: {  	[tilespmem:v2+s7+$0x0] =	vst.idx.add.f32.msk $0xffff, v1  }
0x84: {  	v2 =	vld [tilespmem:$0x390];
	_ =	sdelay $0x7  }
0x85: {  	[tilespmem:v2+s7+$0x0] =	vst.idx.add.f32.msk $0xffff, v1  }
0x86: {  	v2 =	vld [tilespmem:$0x3A0];
	_ =	sdelay $0x7  }
0x87: {  	[tilespmem:v2+s7+$0x0] =	vst.idx.add.f32.msk $0xffff, v1  }
0x88: {  	v2 =	vld [tilespmem:$0x3B0];
	_ =	sdelay $0x7  }
0x89: {  	[tilespmem:v2+s7+$0x0] =	vst.idx.add.f32.msk $0xffff, v1  }
0x8a: {  	v2 =	vld [tilespmem:$0x3C0];
	_ =	sdelay $0x7  }
0x8b: {  	[tilespmem:v2+s7+$0x0] =	vst.idx.add.f32.msk $0xffff, v1  }
0x8c: {  	v2 =	vld [tilespmem:$0x3D0];
	_ =	sdelay $0x7  }
0x8d: {  	[tilespmem:v2+s7+$0x0] =	vst.idx.add.f32.msk $0xffff, v1  }
0x8e: {  	v2 =	vld [tilespmem:$0x3E0];
	_ =	sdelay $0x7  }
0x8f: {  	[tilespmem:v2+s7+$0x0] =	vst.idx.add.f32.msk $0xffff, v1  }
0x90: {  	v2 =	vld [tilespmem:$0x3F0];
	_ =	sdelay $0x5  }
0x91: {  	s8 =	sadd.s32 $0x1, s8  }
0x92: {  	p0 =	sne.s32 s8, s5  }
.Ltmp1:
0x93: {  	[tilespmem:v2+s7+$0x0] =	vst.idx.add.f32.msk $0xffff, v1;
	(pc) =	sbr.rel @p0 .LBB2_1-.Ltmp1, $4  }
0x94: {  	[hbm4b:s4+s2] =	stream.linear.scatter [tilespmem:s7], [sflag:$0x1], $0x400, $0x38;
	[tilespmem:$0x800] =	vst v63  }
0x95: {  	_ =	swait.ge [sflag:s6], $0x400  }
0x96: {  	[sflag:s6] =	ssyncset.done $0x0  }
0x97: {  	[sflag:s6] =	ssyncadd.s32 $0xFFFFFC00  }
0x98: {  	_ =	sfence.sel $0x180000  }
0x99: {  	[bflag:$0x0] =	sbarrier.arrive $0xFFFF  }
0x9a: {  	p0 =	sne.s32 s1, $0x0;
	_ =	strace $0x90000047  }
0x9b: {  	s0 =	sadd.s32 @!p0 $0x100000, s0;
	[bflag:$0x2] =	sbarrier.arrive $0xFFFF  }
0x9c: {  	[sflag:s0] =	ssyncadd.tile.s32 @!p0 $0x1;
	_ =	shalt  }
.Lfunc_end2:
_tile_overlayer_lowered:
.L_overlay_start_2:
0x9d: {  	(tag) =	ssettag $0x2  }
0x9e: {  	s0 =	rddreg [dreg:$0x0];
	s2 =	stileid.u32  }
0x9f: {  	s1 =	rddreg [dreg:$0x1];
	p0 =	sne.s32 s2, $0x0  }
0xa0: {  	s3 =	rddreg [dreg:$0x2];
	[bflag:$0x3] =	sbarrier.arrive $0xFFFF;
	s2 =	simm.s32 @!p0 $0x1C01  }
0xa1: {  	[timem:s3], [sflag:s2] =	dma.local @!p0 [hbm:s0], s1  }
0xa2: {  	s0 =	simm.s32 @!p0 $0x1  }
0xa3: {  	_ =	swait.ge @!p0 [sflag:s0], s1  }
0xa4: {  	s1 =	ssub.s32 @!p0 $0x0, s1;
	[sflag:s0] =	ssyncset.done @!p0 $0x0  }
0xa5: {  	[sflag:s0] =	ssyncadd.s32 @!p0 s1  }
0xa6: {  	[bflag:$0x3] =	sbarrier.arrive $0xFFFF  }
0xa7: {  	_ =	shalt  }

</sc_bundles>
